<compile_context>
chip_gen: v7x
topology: tpu7x:2x2x1
jax: 0.10.2.dev20260603
libtpu: 0.0.44.dev20260713+nightly
codegen_flags: <defaults>
</compile_context>

<pallas_src>
import functools

import jax
import jax.numpy as jnp
from jax import lax
from jax.experimental import pallas as pl
from jax.experimental.pallas import tpu as pltpu
from jax.experimental.pallas import tpu_sc as plsc

B = 16384
V = 100000
D = 128

NC = 2
NS = 16
L = 16
NW = NC * NS
PER_W = B // NW
C = 64
N_CHUNKS = PER_W // C
NBUF = 4


def _shuffle(x, idx):
    return lax.gather(
        x, idx[:, None],
        lax.GatherDimensionNumbers(
            offset_dims=(), collapsed_slice_dims=(0,), start_index_map=(0,)),
        slice_sizes=(1,), mode=lax.GatherScatterMode.PROMISE_IN_BOUNDS)


def _neg_sqrt(ssq):
    x = jnp.maximum(ssq, jnp.float32(1e-35))
    bits = lax.bitcast_convert_type(x, jnp.int32)
    y = lax.bitcast_convert_type(
        jnp.int32(0x5F3759DF) - lax.shift_right_logical(bits, 1), jnp.float32)
    for _ in range(3):
        y = y * (jnp.float32(1.5) - jnp.float32(0.5) * x * y * y)
    return -(x * y)


def _body(mention_hbm, h_hbm, t_hbm, table_hbm, out_hbm,
          idxh_v, idxt_v, h_rows, t_rows, m_rows, out_v, sems):
    wid = lax.axis_index("s") * NC + lax.axis_index("c")
    base = wid * PER_W

    lane = lax.iota(jnp.int32, L)

    cp_ih = pltpu.async_copy(h_hbm.at[pl.ds(base, PER_W)], idxh_v,
                             sems.at[0, 0])
    cp_it = pltpu.async_copy(t_hbm.at[pl.ds(base, PER_W)], idxt_v,
                             sems.at[0, 1])
    cp_ih.wait()
    cp_it.wait()

    def dma_trio(c, b):
        return (
            pltpu.make_async_copy(table_hbm.at[idxh_v.at[pl.ds(c * C, C)]],
                                  h_rows.at[b], sems.at[b, 0]),
            pltpu.make_async_copy(table_hbm.at[idxt_v.at[pl.ds(c * C, C)]],
                                  t_rows.at[b], sems.at[b, 1]),
            pltpu.make_async_copy(mention_hbm.at[pl.ds(base + c * C, C)],
                                  m_rows.at[b], sems.at[b, 2]),
        )

    for p in range(NBUF - 1):
        for cp in dma_trio(p, p):
            cp.start()

    def chunk_body(c, carry):
        b = lax.rem(c, NBUF)
        for cp in dma_trio(c, b):
            cp.wait()

        @pl.when(c <= N_CHUNKS - NBUF)
        def _prefetch():
            cc = c + NBUF - 1
            for cp in dma_trio(cc, lax.rem(cc, NBUF)):
                cp.start()

        def group_body(gg, carry2):
            def row_body(r, ssq):
                row = gg * L + r
                acc = None
                for k in range(D // L):
                    hv = h_rows[b, row, pl.ds(k * L, L)]
                    mv = m_rows[b, row, pl.ds(k * L, L)]
                    tv = t_rows[b, row, pl.ds(k * L, L)]
                    d = (hv + mv) - tv
                    acc = d * d if acc is None else acc + d * d
                for sh in (8, 4, 2, 1):
                    acc = acc + _shuffle(acc, (lane + sh) % L)
                return jnp.where(lane == r, acc, ssq)

            ssq = lax.fori_loop(0, L, row_body,
                                jnp.zeros((L,), jnp.float32), unroll=2)
            out_v[pl.ds(c * C + gg * L, L)] = _neg_sqrt(ssq)
            return carry2

        lax.fori_loop(0, C // L, group_body, 0)
        return carry

    lax.fori_loop(0, N_CHUNKS, chunk_body, 0)

    pltpu.sync_copy(out_v, out_hbm.at[pl.ds(base, PER_W)])


_mesh = plsc.VectorSubcoreMesh(core_axis_name="c", subcore_axis_name="s")

_triplet = functools.partial(
    pl.kernel,
    mesh=_mesh,
    out_type=jax.ShapeDtypeStruct((B,), jnp.float32),
    scratch_types=[
        pltpu.VMEM((PER_W,), jnp.int32),
        pltpu.VMEM((PER_W,), jnp.int32),
        pltpu.VMEM((NBUF, C, D), jnp.float32),
        pltpu.VMEM((NBUF, C, D), jnp.float32),
        pltpu.VMEM((NBUF, C, D), jnp.float32),
        pltpu.VMEM((PER_W,), jnp.float32),
        pltpu.SemaphoreType.DMA((NBUF, 3)),
    ],
)(_body)


def kernel(mention, h, t, emb_table):
    assert mention.shape == (B, D) and emb_table.shape == (V, D)
    assert h.shape == (B,) and t.shape == (B,)
    return _triplet(mention, h, t, emb_table)

# --- scband reference (transcript-rebuilt; emitter-appended) ---
"""Pipeline reference for scband-triplet-model-2963527434971 (READ-ONLY COPY).

The authoritative reference and input builder live on the scoring server;
editing this copy changes nothing except your own understanding.
"""

import jax, jax.numpy as jnp
import numpy as np

B = 16384
V = 100000
D = 128

def setup_inputs(seed: int = 0) -> dict:
    key = jax.random.key(seed)
    k1, k2, k3, k4 = jax.random.split(key, 4)
    mention = jax.random.normal(k1, (B, D), dtype=jnp.float32)
    h = jax.random.randint(k2, (B,), 0, V, dtype=jnp.int32)
    t = jax.random.randint(k3, (B,), 0, V, dtype=jnp.int32)
    emb_table = jax.random.normal(k4, (V, D), dtype=jnp.float32) * 0.02
    return {"mention": mention, "h": h, "t": t, "emb_table": emb_table}

def reference(mention, h, t, emb_table):
    # h_emb = self.emb(h); t_emb = self.emb(t)
    h_emb = jnp.take(emb_table, h, axis=0)
    t_emb = jnp.take(emb_table, t, axis=0)
    # TransE-style triplet score: -||h + mention - t||_2 per triple
    diff = h_emb + mention - t_emb
    score = -jnp.sqrt(jnp.sum(diff * diff, axis=-1))
    return score

if __name__ == "__main__":
    import jax
    _d = setup_inputs()
    print(jax.jit(kernel)(*tuple(_d.values())))

</pallas_src>

<mosaic_0001>
#map = affine_map<(d0, d1) -> (0, 0)>
#map1 = affine_map<(d0, d1) -> (0)>
module attributes {stable_mosaic.version = 14 : i64} {
  func.func @_body(%arg0: i32, %arg1: i32, %arg2: memref<16384x128xf32, #tpu.memory_space<hbm>>, %arg3: memref<16384xi32, #tpu.memory_space<hbm>>, %arg4: memref<16384xi32, #tpu.memory_space<hbm>>, %arg5: memref<100000x128xf32, #tpu.memory_space<hbm>>, %arg6: memref<16384xf32, #tpu.memory_space<hbm>>, %arg7: memref<512xi32, #tpu.memory_space<vmem>>, %arg8: memref<512xi32, #tpu.memory_space<vmem>>, %arg9: memref<4x64x128xf32, #tpu.memory_space<vmem>>, %arg10: memref<4x64x128xf32, #tpu.memory_space<vmem>>, %arg11: memref<4x64x128xf32, #tpu.memory_space<vmem>>, %arg12: memref<512xf32, #tpu.memory_space<vmem>>, %arg13: memref<4x3x!tpu.dma_semaphore, #tpu.memory_space<semaphore_mem>>) attributes {dimension_semantics = [#tpu.dimension_semantics<core_parallel>, #tpu.dimension_semantics<subcore_parallel>], iteration_bounds = array<i64: 2, 16>, scalar_prefetch = 0 : i64, scratch_operands = 7 : i64, tpu.core_type = #tpu.core_type<sc_vector_subcore>, window_params = [{transform_indices = #map}, {transform_indices = #map1}, {transform_indices = #map1}, {transform_indices = #map}, {transform_indices = #map1}]} {
    %mul3A = arith.constant 2 : i32
    %mul3A_0 = arith.muli %arg1, %mul3A : i32
    %add3A = arith.addi %mul3A_0, %arg0 : i32
    %mul3A_1 = arith.constant 512 : i32
    %mul3A_2 = arith.muli %add3A, %mul3A_1 : i32
    %iota3A = tpu.iota {dimensions = array<i32: 0>} : vector<16xi32>
    %dma_start3A = arith.constant 0 : i32
    %dma_start3A_3 = arith.constant 0 : i32
    %dma_start3A_4 = tpu.memref_slice %arg3[%mul3A_2] : memref<16384xi32, #tpu.memory_space<hbm>> -> memref<512xi32, #tpu.memory_space<hbm>>
    %dma_start3A_5 = tpu.memref_slice %arg13[%dma_start3A, %dma_start3A_3] : memref<4x3x!tpu.dma_semaphore, #tpu.memory_space<semaphore_mem>> -> memref<1x1x!tpu.dma_semaphore, #tpu.memory_space<semaphore_mem>>
    %dma_start3A_6 = tpu.memref_squeeze %dma_start3A_5 : memref<1x1x!tpu.dma_semaphore, #tpu.memory_space<semaphore_mem>> -> memref<!tpu.dma_semaphore, #tpu.memory_space<semaphore_mem>>
    %dma_start3A_7 = tpu.memref_slice %arg3[%mul3A_2] : memref<16384xi32, #tpu.memory_space<hbm>> -> memref<512xi32, #tpu.memory_space<hbm>>
    tpu.enqueue_dma source(%dma_start3A_7 : memref<512xi32, #tpu.memory_space<hbm>>) target(%arg7 : memref<512xi32, #tpu.memory_space<vmem>>) target_semaphore(%dma_start3A_6 : memref<!tpu.dma_semaphore, #tpu.memory_space<semaphore_mem>>)
    %dma_start3A_8 = arith.constant 0 : i32
    %dma_start3A_9 = arith.constant 1 : i32
    %dma_start3A_10 = tpu.memref_slice %arg4[%mul3A_2] : memref<16384xi32, #tpu.memory_space<hbm>> -> memref<512xi32, #tpu.memory_space<hbm>>
    %dma_start3A_11 = tpu.memref_slice %arg13[%dma_start3A_8, %dma_start3A_9] : memref<4x3x!tpu.dma_semaphore, #tpu.memory_space<semaphore_mem>> -> memref<1x1x!tpu.dma_semaphore, #tpu.memory_space<semaphore_mem>>
    %dma_start3A_12 = tpu.memref_squeeze %dma_start3A_11 : memref<1x1x!tpu.dma_semaphore, #tpu.memory_space<semaphore_mem>> -> memref<!tpu.dma_semaphore, #tpu.memory_space<semaphore_mem>>
    %dma_start3A_13 = tpu.memref_slice %arg4[%mul3A_2] : memref<16384xi32, #tpu.memory_space<hbm>> -> memref<512xi32, #tpu.memory_space<hbm>>
    tpu.enqueue_dma source(%dma_start3A_13 : memref<512xi32, #tpu.memory_space<hbm>>) target(%arg8 : memref<512xi32, #tpu.memory_space<vmem>>) target_semaphore(%dma_start3A_12 : memref<!tpu.dma_semaphore, #tpu.memory_space<semaphore_mem>>)
    %dma_wait3A = arith.constant 0 : i32
    %dma_wait3A_14 = arith.constant 0 : i32
    %dma_wait3A_15 = tpu.memref_slice %arg3[%mul3A_2] : memref<16384xi32, #tpu.memory_space<hbm>> -> memref<512xi32, #tpu.memory_space<hbm>>
    %dma_wait3A_16 = tpu.memref_slice %arg13[%dma_wait3A, %dma_wait3A_14] : memref<4x3x!tpu.dma_semaphore, #tpu.memory_space<semaphore_mem>> -> memref<1x1x!tpu.dma_semaphore, #tpu.memory_space<semaphore_mem>>
    %dma_wait3A_17 = tpu.memref_squeeze %dma_wait3A_16 : memref<1x1x!tpu.dma_semaphore, #tpu.memory_space<semaphore_mem>> -> memref<!tpu.dma_semaphore, #tpu.memory_space<semaphore_mem>>
    %dma_wait3A_18 = tpu.memref_slice %arg3[%mul3A_2] : memref<16384xi32, #tpu.memory_space<hbm>> -> memref<512xi32, #tpu.memory_space<hbm>>
    tpu.wait_dma2 semaphore(%dma_wait3A_17 : memref<!tpu.dma_semaphore, #tpu.memory_space<semaphore_mem>>) src(%dma_wait3A_18 : memref<512xi32, #tpu.memory_space<hbm>>) dst(%arg7 : memref<512xi32, #tpu.memory_space<vmem>>)
    %dma_wait3A_19 = arith.constant 0 : i32
    %dma_wait3A_20 = arith.constant 1 : i32
    %dma_wait3A_21 = tpu.memref_slice %arg4[%mul3A_2] : memref<16384xi32, #tpu.memory_space<hbm>> -> memref<512xi32, #tpu.memory_space<hbm>>
    %dma_wait3A_22 = tpu.memref_slice %arg13[%dma_wait3A_19, %dma_wait3A_20] : memref<4x3x!tpu.dma_semaphore, #tpu.memory_space<semaphore_mem>> -> memref<1x1x!tpu.dma_semaphore, #tpu.memory_space<semaphore_mem>>
    %dma_wait3A_23 = tpu.memref_squeeze %dma_wait3A_22 : memref<1x1x!tpu.dma_semaphore, #tpu.memory_space<semaphore_mem>> -> memref<!tpu.dma_semaphore, #tpu.memory_space<semaphore_mem>>
    %dma_wait3A_24 = tpu.memref_slice %arg4[%mul3A_2] : memref<16384xi32, #tpu.memory_space<hbm>> -> memref<512xi32, #tpu.memory_space<hbm>>
    tpu.wait_dma2 semaphore(%dma_wait3A_23 : memref<!tpu.dma_semaphore, #tpu.memory_space<semaphore_mem>>) src(%dma_wait3A_24 : memref<512xi32, #tpu.memory_space<hbm>>) dst(%arg8 : memref<512xi32, #tpu.memory_space<vmem>>)
    %add3A_25 = arith.constant 0 : i32
    %add3A_26 = arith.addi %mul3A_2, %add3A_25 : i32
    %dma_start3A_27 = arith.constant 0 : i32
    %dma_start3A_28 = arith.constant 0 : i32
    %dma_start3A_29 = arith.constant 0 : i32
    %dma_start3A_30 = arith.constant 0 : i32
    %dma_start3A_31 = arith.constant 0 : i32
    %dma_start3A_32 = tpu.memref_slice %arg9[%dma_start3A_27, %dma_start3A_30, %dma_start3A_31] : memref<4x64x128xf32, #tpu.memory_space<vmem>> -> memref<1x64x128xf32, #tpu.memory_space<vmem>>
    %dma_start3A_33 = tpu.memref_squeeze %dma_start3A_32 : memref<1x64x128xf32, #tpu.memory_space<vmem>> -> memref<64x128xf32, #tpu.memory_space<vmem>>
    %dma_start3A_34 = arith.constant 0 : i32
    %dma_start3A_35 = tpu.memref_slice %arg7[%dma_start3A_34] : memref<512xi32, #tpu.memory_space<vmem>> -> memref<64xi32, #tpu.memory_space<vmem>>
    %dma_start3A_36 = arith.constant 0 : i32
    %dma_start3A_37 = arith.constant 0 : i32
    %dma_start3A_38 = tpu.memref_slice %arg5[%dma_start3A_36, %dma_start3A_37] : memref<100000x128xf32, #tpu.memory_space<hbm>> -> memref<100000x128xf32, #tpu.memory_space<hbm>>
    %dma_start3A_39 = tpu.memref_slice %arg13[%dma_start3A_28, %dma_start3A_29] : memref<4x3x!tpu.dma_semaphore, #tpu.memory_space<semaphore_mem>> -> memref<1x1x!tpu.dma_semaphore, #tpu.memory_space<semaphore_mem>>
    %dma_start3A_40 = tpu.memref_squeeze %dma_start3A_39 : memref<1x1x!tpu.dma_semaphore, #tpu.memory_space<semaphore_mem>> -> memref<!tpu.dma_semaphore, #tpu.memory_space<semaphore_mem>>
    tpu.enqueue_indirect_dma source(%dma_start3A_38 : memref<100000x128xf32, #tpu.memory_space<hbm>>) target(%dma_start3A_33 : memref<64x128xf32, #tpu.memory_space<vmem>>) offsets(%dma_start3A_35 : memref<64xi32, #tpu.memory_space<vmem>>) semaphore(%dma_start3A_40 : memref<!tpu.dma_semaphore, #tpu.memory_space<semaphore_mem>>)
    %dma_start3A_41 = arith.constant 0 : i32
    %dma_start3A_42 = arith.constant 0 : i32
    %dma_start3A_43 = arith.constant 1 : i32
    %dma_start3A_44 = arith.constant 0 : i32
    %dma_start3A_45 = arith.constant 0 : i32
    %dma_start3A_46 = tpu.memref_slice %arg10[%dma_start3A_41, %dma_start3A_44, %dma_start3A_45] : memref<4x64x128xf32, #tpu.memory_space<vmem>> -> memref<1x64x128xf32, #tpu.memory_space<vmem>>
    %dma_start3A_47 = tpu.memref_squeeze %dma_start3A_46 : memref<1x64x128xf32, #tpu.memory_space<vmem>> -> memref<64x128xf32, #tpu.memory_space<vmem>>
    %dma_start3A_48 = arith.constant 0 : i32
    %dma_start3A_49 = tpu.memref_slice %arg8[%dma_start3A_48] : memref<512xi32, #tpu.memory_space<vmem>> -> memref<64xi32, #tpu.memory_space<vmem>>
    %dma_start3A_50 = arith.constant 0 : i32
    %dma_start3A_51 = arith.constant 0 : i32
    %dma_start3A_52 = tpu.memref_slice %arg5[%dma_start3A_50, %dma_start3A_51] : memref<100000x128xf32, #tpu.memory_space<hbm>> -> memref<100000x128xf32, #tpu.memory_space<hbm>>
    %dma_start3A_53 = tpu.memref_slice %arg13[%dma_start3A_42, %dma_start3A_43] : memref<4x3x!tpu.dma_semaphore, #tpu.memory_space<semaphore_mem>> -> memref<1x1x!tpu.dma_semaphore, #tpu.memory_space<semaphore_mem>>
    %dma_start3A_54 = tpu.memref_squeeze %dma_start3A_53 : memref<1x1x!tpu.dma_semaphore, #tpu.memory_space<semaphore_mem>> -> memref<!tpu.dma_semaphore, #tpu.memory_space<semaphore_mem>>
    tpu.enqueue_indirect_dma source(%dma_start3A_52 : memref<100000x128xf32, #tpu.memory_space<hbm>>) target(%dma_start3A_47 : memref<64x128xf32, #tpu.memory_space<vmem>>) offsets(%dma_start3A_49 : memref<64xi32, #tpu.memory_space<vmem>>) semaphore(%dma_start3A_54 : memref<!tpu.dma_semaphore, #tpu.memory_space<semaphore_mem>>)
    %dma_start3A_55 = arith.constant 0 : i32
    %dma_start3A_56 = arith.constant 0 : i32
    %dma_start3A_57 = arith.constant 2 : i32
    %dma_start3A_58 = arith.constant 0 : i32
    %dma_start3A_59 = arith.constant 0 : i32
    %dma_start3A_60 = tpu.memref_slice %arg11[%dma_start3A_55, %dma_start3A_58, %dma_start3A_59] : memref<4x64x128xf32, #tpu.memory_space<vmem>> -> memref<1x64x128xf32, #tpu.memory_space<vmem>>
    %dma_start3A_61 = tpu.memref_squeeze %dma_start3A_60 : memref<1x64x128xf32, #tpu.memory_space<vmem>> -> memref<64x128xf32, #tpu.memory_space<vmem>>
    %dma_start3A_62 = arith.constant 0 : i32
    %dma_start3A_63 = tpu.memref_slice %arg2[%add3A_26, %dma_start3A_62] : memref<16384x128xf32, #tpu.memory_space<hbm>> -> memref<64x128xf32, #tpu.memory_space<hbm>>
    %dma_start3A_64 = tpu.memref_slice %arg13[%dma_start3A_56, %dma_start3A_57] : memref<4x3x!tpu.dma_semaphore, #tpu.memory_space<semaphore_mem>> -> memref<1x1x!tpu.dma_semaphore, #tpu.memory_space<semaphore_mem>>
    %dma_start3A_65 = tpu.memref_squeeze %dma_start3A_64 : memref<1x1x!tpu.dma_semaphore, #tpu.memory_space<semaphore_mem>> -> memref<!tpu.dma_semaphore, #tpu.memory_space<semaphore_mem>>
    %dma_start3A_66 = arith.constant 0 : i32
    %dma_start3A_67 = arith.constant 0 : i32
    %dma_start3A_68 = tpu.memref_slice %arg11[%dma_start3A_55, %dma_start3A_66, %dma_start3A_67] : memref<4x64x128xf32, #tpu.memory_space<vmem>> -> memref<1x64x128xf32, #tpu.memory_space<vmem>>
    %dma_start3A_69 = tpu.memref_squeeze %dma_start3A_68 : memref<1x64x128xf32, #tpu.memory_space<vmem>> -> memref<64x128xf32, #tpu.memory_space<vmem>>
    %dma_start3A_70 = arith.constant 0 : i32
    %dma_start3A_71 = tpu.memref_slice %arg2[%add3A_26, %dma_start3A_70] : memref<16384x128xf32, #tpu.memory_space<hbm>> -> memref<64x128xf32, #tpu.memory_space<hbm>>
    tpu.enqueue_dma source(%dma_start3A_71 : memref<64x128xf32, #tpu.memory_space<hbm>>) target(%dma_start3A_69 : memref<64x128xf32, #tpu.memory_space<vmem>>) target_semaphore(%dma_start3A_65 : memref<!tpu.dma_semaphore, #tpu.memory_space<semaphore_mem>>)
    %add3A_72 = arith.constant 64 : i32
    %add3A_73 = arith.addi %mul3A_2, %add3A_72 : i32
    %dma_start3A_74 = arith.constant 1 : i32
    %dma_start3A_75 = arith.constant 1 : i32
    %dma_start3A_76 = arith.constant 0 : i32
    %dma_start3A_77 = arith.constant 0 : i32
    %dma_start3A_78 = arith.constant 0 : i32
    %dma_start3A_79 = tpu.memref_slice %arg9[%dma_start3A_74, %dma_start3A_77, %dma_start3A_78] : memref<4x64x128xf32, #tpu.memory_space<vmem>> -> memref<1x64x128xf32, #tpu.memory_space<vmem>>
    %dma_start3A_80 = tpu.memref_squeeze %dma_start3A_79 : memref<1x64x128xf32, #tpu.memory_space<vmem>> -> memref<64x128xf32, #tpu.memory_space<vmem>>
    %dma_start3A_81 = arith.constant 64 : i32
    %dma_start3A_82 = tpu.memref_slice %arg7[%dma_start3A_81] : memref<512xi32, #tpu.memory_space<vmem>> -> memref<64xi32, #tpu.memory_space<vmem>>
    %dma_start3A_83 = arith.constant 0 : i32
    %dma_start3A_84 = arith.constant 0 : i32
    %dma_start3A_85 = tpu.memref_slice %arg5[%dma_start3A_83, %dma_start3A_84] : memref<100000x128xf32, #tpu.memory_space<hbm>> -> memref<100000x128xf32, #tpu.memory_space<hbm>>
    %dma_start3A_86 = tpu.memref_slice %arg13[%dma_start3A_75, %dma_start3A_76] : memref<4x3x!tpu.dma_semaphore, #tpu.memory_space<semaphore_mem>> -> memref<1x1x!tpu.dma_semaphore, #tpu.memory_space<semaphore_mem>>
    %dma_start3A_87 = tpu.memref_squeeze %dma_start3A_86 : memref<1x1x!tpu.dma_semaphore, #tpu.memory_space<semaphore_mem>> -> memref<!tpu.dma_semaphore, #tpu.memory_space<semaphore_mem>>
    tpu.enqueue_indirect_dma source(%dma_start3A_85 : memref<100000x128xf32, #tpu.memory_space<hbm>>) target(%dma_start3A_80 : memref<64x128xf32, #tpu.memory_space<vmem>>) offsets(%dma_start3A_82 : memref<64xi32, #tpu.memory_space<vmem>>) semaphore(%dma_start3A_87 : memref<!tpu.dma_semaphore, #tpu.memory_space<semaphore_mem>>)
    %dma_start3A_88 = arith.constant 1 : i32
    %dma_start3A_89 = arith.constant 1 : i32
    %dma_start3A_90 = arith.constant 1 : i32
    %dma_start3A_91 = arith.constant 0 : i32
    %dma_start3A_92 = arith.constant 0 : i32
    %dma_start3A_93 = tpu.memref_slice %arg10[%dma_start3A_88, %dma_start3A_91, %dma_start3A_92] : memref<4x64x128xf32, #tpu.memory_space<vmem>> -> memref<1x64x128xf32, #tpu.memory_space<vmem>>
    %dma_start3A_94 = tpu.memref_squeeze %dma_start3A_93 : memref<1x64x128xf32, #tpu.memory_space<vmem>> -> memref<64x128xf32, #tpu.memory_space<vmem>>
    %dma_start3A_95 = arith.constant 64 : i32
    %dma_start3A_96 = tpu.memref_slice %arg8[%dma_start3A_95] : memref<512xi32, #tpu.memory_space<vmem>> -> memref<64xi32, #tpu.memory_space<vmem>>
    %dma_start3A_97 = arith.constant 0 : i32
    %dma_start3A_98 = arith.constant 0 : i32
    %dma_start3A_99 = tpu.memref_slice %arg5[%dma_start3A_97, %dma_start3A_98] : memref<100000x128xf32, #tpu.memory_space<hbm>> -> memref<100000x128xf32, #tpu.memory_space<hbm>>
    %dma_start3A_100 = tpu.memref_slice %arg13[%dma_start3A_89, %dma_start3A_90] : memref<4x3x!tpu.dma_semaphore, #tpu.memory_space<semaphore_mem>> -> memref<1x1x!tpu.dma_semaphore, #tpu.memory_space<semaphore_mem>>
    %dma_start3A_101 = tpu.memref_squeeze %dma_start3A_100 : memref<1x1x!tpu.dma_semaphore, #tpu.memory_space<semaphore_mem>> -> memref<!tpu.dma_semaphore, #tpu.memory_space<semaphore_mem>>
    tpu.enqueue_indirect_dma source(%dma_start3A_99 : memref<100000x128xf32, #tpu.memory_space<hbm>>) target(%dma_start3A_94 : memref<64x128xf32, #tpu.memory_space<vmem>>) offsets(%dma_start3A_96 : memref<64xi32, #tpu.memory_space<vmem>>) semaphore(%dma_start3A_101 : memref<!tpu.dma_semaphore, #tpu.memory_space<semaphore_mem>>)
    %dma_start3A_102 = arith.constant 1 : i32
    %dma_start3A_103 = arith.constant 1 : i32
    %dma_start3A_104 = arith.constant 2 : i32
    %dma_start3A_105 = arith.constant 0 : i32
    %dma_start3A_106 = arith.constant 0 : i32
    %dma_start3A_107 = tpu.memref_slice %arg11[%dma_start3A_102, %dma_start3A_105, %dma_start3A_106] : memref<4x64x128xf32, #tpu.memory_space<vmem>> -> memref<1x64x128xf32, #tpu.memory_space<vmem>>
    %dma_start3A_108 = tpu.memref_squeeze %dma_start3A_107 : memref<1x64x128xf32, #tpu.memory_space<vmem>> -> memref<64x128xf32, #tpu.memory_space<vmem>>
    %dma_start3A_109 = arith.constant 0 : i32
    %dma_start3A_110 = tpu.memref_slice %arg2[%add3A_73, %dma_start3A_109] : memref<16384x128xf32, #tpu.memory_space<hbm>> -> memref<64x128xf32, #tpu.memory_space<hbm>>
    %dma_start3A_111 = tpu.memref_slice %arg13[%dma_start3A_103, %dma_start3A_104] : memref<4x3x!tpu.dma_semaphore, #tpu.memory_space<semaphore_mem>> -> memref<1x1x!tpu.dma_semaphore, #tpu.memory_space<semaphore_mem>>
    %dma_start3A_112 = tpu.memref_squeeze %dma_start3A_111 : memref<1x1x!tpu.dma_semaphore, #tpu.memory_space<semaphore_mem>> -> memref<!tpu.dma_semaphore, #tpu.memory_space<semaphore_mem>>
    %dma_start3A_113 = arith.constant 0 : i32
    %dma_start3A_114 = arith.constant 0 : i32
    %dma_start3A_115 = tpu.memref_slice %arg11[%dma_start3A_102, %dma_start3A_113, %dma_start3A_114] : memref<4x64x128xf32, #tpu.memory_space<vmem>> -> memref<1x64x128xf32, #tpu.memory_space<vmem>>
    %dma_start3A_116 = tpu.memref_squeeze %dma_start3A_115 : memref<1x64x128xf32, #tpu.memory_space<vmem>> -> memref<64x128xf32, #tpu.memory_space<vmem>>
    %dma_start3A_117 = arith.constant 0 : i32
    %dma_start3A_118 = tpu.memref_slice %arg2[%add3A_73, %dma_start3A_117] : memref<16384x128xf32, #tpu.memory_space<hbm>> -> memref<64x128xf32, #tpu.memory_space<hbm>>
    tpu.enqueue_dma source(%dma_start3A_118 : memref<64x128xf32, #tpu.memory_space<hbm>>) target(%dma_start3A_116 : memref<64x128xf32, #tpu.memory_space<vmem>>) target_semaphore(%dma_start3A_112 : memref<!tpu.dma_semaphore, #tpu.memory_space<semaphore_mem>>)
    %add3A_119 = arith.constant 128 : i32
    %add3A_120 = arith.addi %mul3A_2, %add3A_119 : i32
    %dma_start3A_121 = arith.constant 2 : i32
    %dma_start3A_122 = arith.constant 2 : i32
    %dma_start3A_123 = arith.constant 0 : i32
    %dma_start3A_124 = arith.constant 0 : i32
    %dma_start3A_125 = arith.constant 0 : i32
    %dma_start3A_126 = tpu.memref_slice %arg9[%dma_start3A_121, %dma_start3A_124, %dma_start3A_125] : memref<4x64x128xf32, #tpu.memory_space<vmem>> -> memref<1x64x128xf32, #tpu.memory_space<vmem>>
    %dma_start3A_127 = tpu.memref_squeeze %dma_start3A_126 : memref<1x64x128xf32, #tpu.memory_space<vmem>> -> memref<64x128xf32, #tpu.memory_space<vmem>>
    %dma_start3A_128 = arith.constant 128 : i32
    %dma_start3A_129 = tpu.memref_slice %arg7[%dma_start3A_128] : memref<512xi32, #tpu.memory_space<vmem>> -> memref<64xi32, #tpu.memory_space<vmem>>
    %dma_start3A_130 = arith.constant 0 : i32
    %dma_start3A_131 = arith.constant 0 : i32
    %dma_start3A_132 = tpu.memref_slice %arg5[%dma_start3A_130, %dma_start3A_131] : memref<100000x128xf32, #tpu.memory_space<hbm>> -> memref<100000x128xf32, #tpu.memory_space<hbm>>
    %dma_start3A_133 = tpu.memref_slice %arg13[%dma_start3A_122, %dma_start3A_123] : memref<4x3x!tpu.dma_semaphore, #tpu.memory_space<semaphore_mem>> -> memref<1x1x!tpu.dma_semaphore, #tpu.memory_space<semaphore_mem>>
    %dma_start3A_134 = tpu.memref_squeeze %dma_start3A_133 : memref<1x1x!tpu.dma_semaphore, #tpu.memory_space<semaphore_mem>> -> memref<!tpu.dma_semaphore, #tpu.memory_space<semaphore_mem>>
    tpu.enqueue_indirect_dma source(%dma_start3A_132 : memref<100000x128xf32, #tpu.memory_space<hbm>>) target(%dma_start3A_127 : memref<64x128xf32, #tpu.memory_space<vmem>>) offsets(%dma_start3A_129 : memref<64xi32, #tpu.memory_space<vmem>>) semaphore(%dma_start3A_134 : memref<!tpu.dma_semaphore, #tpu.memory_space<semaphore_mem>>)
    %dma_start3A_135 = arith.constant 2 : i32
    %dma_start3A_136 = arith.constant 2 : i32
    %dma_start3A_137 = arith.constant 1 : i32
    %dma_start3A_138 = arith.constant 0 : i32
    %dma_start3A_139 = arith.constant 0 : i32
    %dma_start3A_140 = tpu.memref_slice %arg10[%dma_start3A_135, %dma_start3A_138, %dma_start3A_139] : memref<4x64x128xf32, #tpu.memory_space<vmem>> -> memref<1x64x128xf32, #tpu.memory_space<vmem>>
    %dma_start3A_141 = tpu.memref_squeeze %dma_start3A_140 : memref<1x64x128xf32, #tpu.memory_space<vmem>> -> memref<64x128xf32, #tpu.memory_space<vmem>>
    %dma_start3A_142 = arith.constant 128 : i32
    %dma_start3A_143 = tpu.memref_slice %arg8[%dma_start3A_142] : memref<512xi32, #tpu.memory_space<vmem>> -> memref<64xi32, #tpu.memory_space<vmem>>
    %dma_start3A_144 = arith.constant 0 : i32
    %dma_start3A_145 = arith.constant 0 : i32
    %dma_start3A_146 = tpu.memref_slice %arg5[%dma_start3A_144, %dma_start3A_145] : memref<100000x128xf32, #tpu.memory_space<hbm>> -> memref<100000x128xf32, #tpu.memory_space<hbm>>
    %dma_start3A_147 = tpu.memref_slice %arg13[%dma_start3A_136, %dma_start3A_137] : memref<4x3x!tpu.dma_semaphore, #tpu.memory_space<semaphore_mem>> -> memref<1x1x!tpu.dma_semaphore, #tpu.memory_space<semaphore_mem>>
    %dma_start3A_148 = tpu.memref_squeeze %dma_start3A_147 : memref<1x1x!tpu.dma_semaphore, #tpu.memory_space<semaphore_mem>> -> memref<!tpu.dma_semaphore, #tpu.memory_space<semaphore_mem>>
    tpu.enqueue_indirect_dma source(%dma_start3A_146 : memref<100000x128xf32, #tpu.memory_space<hbm>>) target(%dma_start3A_141 : memref<64x128xf32, #tpu.memory_space<vmem>>) offsets(%dma_start3A_143 : memref<64xi32, #tpu.memory_space<vmem>>) semaphore(%dma_start3A_148 : memref<!tpu.dma_semaphore, #tpu.memory_space<semaphore_mem>>)
    %dma_start3A_149 = arith.constant 2 : i32
    %dma_start3A_150 = arith.constant 2 : i32
    %dma_start3A_151 = arith.constant 2 : i32
    %dma_start3A_152 = arith.constant 0 : i32
    %dma_start3A_153 = arith.constant 0 : i32
    %dma_start3A_154 = tpu.memref_slice %arg11[%dma_start3A_149, %dma_start3A_152, %dma_start3A_153] : memref<4x64x128xf32, #tpu.memory_space<vmem>> -> memref<1x64x128xf32, #tpu.memory_space<vmem>>
    %dma_start3A_155 = tpu.memref_squeeze %dma_start3A_154 : memref<1x64x128xf32, #tpu.memory_space<vmem>> -> memref<64x128xf32, #tpu.memory_space<vmem>>
    %dma_start3A_156 = arith.constant 0 : i32
    %dma_start3A_157 = tpu.memref_slice %arg2[%add3A_120, %dma_start3A_156] : memref<16384x128xf32, #tpu.memory_space<hbm>> -> memref<64x128xf32, #tpu.memory_space<hbm>>
    %dma_start3A_158 = tpu.memref_slice %arg13[%dma_start3A_150, %dma_start3A_151] : memref<4x3x!tpu.dma_semaphore, #tpu.memory_space<semaphore_mem>> -> memref<1x1x!tpu.dma_semaphore, #tpu.memory_space<semaphore_mem>>
    %dma_start3A_159 = tpu.memref_squeeze %dma_start3A_158 : memref<1x1x!tpu.dma_semaphore, #tpu.memory_space<semaphore_mem>> -> memref<!tpu.dma_semaphore, #tpu.memory_space<semaphore_mem>>
    %dma_start3A_160 = arith.constant 0 : i32
    %dma_start3A_161 = arith.constant 0 : i32
    %dma_start3A_162 = tpu.memref_slice %arg11[%dma_start3A_149, %dma_start3A_160, %dma_start3A_161] : memref<4x64x128xf32, #tpu.memory_space<vmem>> -> memref<1x64x128xf32, #tpu.memory_space<vmem>>
    %dma_start3A_163 = tpu.memref_squeeze %dma_start3A_162 : memref<1x64x128xf32, #tpu.memory_space<vmem>> -> memref<64x128xf32, #tpu.memory_space<vmem>>
    %dma_start3A_164 = arith.constant 0 : i32
    %dma_start3A_165 = tpu.memref_slice %arg2[%add3A_120, %dma_start3A_164] : memref<16384x128xf32, #tpu.memory_space<hbm>> -> memref<64x128xf32, #tpu.memory_space<hbm>>
    tpu.enqueue_dma source(%dma_start3A_165 : memref<64x128xf32, #tpu.memory_space<hbm>>) target(%dma_start3A_163 : memref<64x128xf32, #tpu.memory_space<vmem>>) target_semaphore(%dma_start3A_159 : memref<!tpu.dma_semaphore, #tpu.memory_space<semaphore_mem>>)
    %scan3A = arith.constant 0 : i32
    %scan3A_166 = arith.constant 0 : i32
    %scan3A_167 = arith.constant 8 : i32
    %scan3A_168 = arith.addi %scan3A_166, %scan3A_167 : i32
    %scan3A_169 = arith.constant 1 : i32
    scf.for %scan3A_171 = %scan3A_166 to %scan3A_168 step %scan3A_169  : i32 {
      %rem3A = arith.constant 4 : i32
      %rem3A_172 = arith.remsi %scan3A_171, %rem3A : i32
      %mul3A_173 = arith.constant 64 : i32
      %mul3A_174 = arith.muli %scan3A_171, %mul3A_173 : i32
      %mul3A_175 = arith.constant 64 : i32
      %mul3A_176 = arith.muli %scan3A_171, %mul3A_175 : i32
      %mul3A_177 = arith.constant 64 : i32
      %mul3A_178 = arith.muli %scan3A_171, %mul3A_177 : i32
      %add3A_179 = arith.addi %mul3A_2, %mul3A_178 : i32
      %dma_wait3A_180 = arith.constant 0 : i32
      %dma_wait3A_181 = arith.constant 0 : i32
      %dma_wait3A_182 = arith.constant 0 : i32
      %dma_wait3A_183 = tpu.memref_slice %arg9[%rem3A_172, %dma_wait3A_181, %dma_wait3A_182] : memref<4x64x128xf32, #tpu.memory_space<vmem>> -> memref<1x64x128xf32, #tpu.memory_space<vmem>>
      %dma_wait3A_184 = tpu.memref_squeeze %dma_wait3A_183 : memref<1x64x128xf32, #tpu.memory_space<vmem>> -> memref<64x128xf32, #tpu.memory_space<vmem>>
      %dma_wait3A_185 = tpu.memref_slice %arg7[%mul3A_174] : memref<512xi32, #tpu.memory_space<vmem>> -> memref<64xi32, #tpu.memory_space<vmem>>
      %dma_wait3A_186 = arith.constant 0 : i32
      %dma_wait3A_187 = arith.constant 0 : i32
      %dma_wait3A_188 = tpu.memref_slice %arg5[%dma_wait3A_186, %dma_wait3A_187] : memref<100000x128xf32, #tpu.memory_space<hbm>> -> memref<100000x128xf32, #tpu.memory_space<hbm>>
      %dma_wait3A_189 = tpu.memref_slice %arg13[%rem3A_172, %dma_wait3A_180] : memref<4x3x!tpu.dma_semaphore, #tpu.memory_space<semaphore_mem>> -> memref<1x1x!tpu.dma_semaphore, #tpu.memory_space<semaphore_mem>>
      %dma_wait3A_190 = tpu.memref_squeeze %dma_wait3A_189 : memref<1x1x!tpu.dma_semaphore, #tpu.memory_space<semaphore_mem>> -> memref<!tpu.dma_semaphore, #tpu.memory_space<semaphore_mem>>
      tpu.wait_indirect_dma semaphore(%dma_wait3A_190 : memref<!tpu.dma_semaphore, #tpu.memory_space<semaphore_mem>>) src(%dma_wait3A_188 : memref<100000x128xf32, #tpu.memory_space<hbm>>) dst(%dma_wait3A_184 : memref<64x128xf32, #tpu.memory_space<vmem>>)
      %dma_wait3A_191 = arith.constant 1 : i32
      %dma_wait3A_192 = arith.constant 0 : i32
      %dma_wait3A_193 = arith.constant 0 : i32
      %dma_wait3A_194 = tpu.memref_slice %arg10[%rem3A_172, %dma_wait3A_192, %dma_wait3A_193] : memref<4x64x128xf32, #tpu.memory_space<vmem>> -> memref<1x64x128xf32, #tpu.memory_space<vmem>>
      %dma_wait3A_195 = tpu.memref_squeeze %dma_wait3A_194 : memref<1x64x128xf32, #tpu.memory_space<vmem>> -> memref<64x128xf32, #tpu.memory_space<vmem>>
      %dma_wait3A_196 = tpu.memref_slice %arg8[%mul3A_176] : memref<512xi32, #tpu.memory_space<vmem>> -> memref<64xi32, #tpu.memory_space<vmem>>
      %dma_wait3A_197 = arith.constant 0 : i32
      %dma_wait3A_198 = arith.constant 0 : i32
      %dma_wait3A_199 = tpu.memref_slice %arg5[%dma_wait3A_197, %dma_wait3A_198] : memref<100000x128xf32, #tpu.memory_space<hbm>> -> memref<100000x128xf32, #tpu.memory_space<hbm>>
      %dma_wait3A_200 = tpu.memref_slice %arg13[%rem3A_172, %dma_wait3A_191] : memref<4x3x!tpu.dma_semaphore, #tpu.memory_space<semaphore_mem>> -> memref<1x1x!tpu.dma_semaphore, #tpu.memory_space<semaphore_mem>>
      %dma_wait3A_201 = tpu.memref_squeeze %dma_wait3A_200 : memref<1x1x!tpu.dma_semaphore, #tpu.memory_space<semaphore_mem>> -> memref<!tpu.dma_semaphore, #tpu.memory_space<semaphore_mem>>
      tpu.wait_indirect_dma semaphore(%dma_wait3A_201 : memref<!tpu.dma_semaphore, #tpu.memory_space<semaphore_mem>>) src(%dma_wait3A_199 : memref<100000x128xf32, #tpu.memory_space<hbm>>) dst(%dma_wait3A_195 : memref<64x128xf32, #tpu.memory_space<vmem>>)
      %dma_wait3A_202 = arith.constant 2 : i32
      %dma_wait3A_203 = arith.constant 0 : i32
      %dma_wait3A_204 = arith.constant 0 : i32
      %dma_wait3A_205 = tpu.memref_slice %arg11[%rem3A_172, %dma_wait3A_203, %dma_wait3A_204] : memref<4x64x128xf32, #tpu.memory_space<vmem>> -> memref<1x64x128xf32, #tpu.memory_space<vmem>>
      %dma_wait3A_206 = tpu.memref_squeeze %dma_wait3A_205 : memref<1x64x128xf32, #tpu.memory_space<vmem>> -> memref<64x128xf32, #tpu.memory_space<vmem>>
      %dma_wait3A_207 = arith.constant 0 : i32
      %dma_wait3A_208 = tpu.memref_slice %arg2[%add3A_179, %dma_wait3A_207] : memref<16384x128xf32, #tpu.memory_space<hbm>> -> memref<64x128xf32, #tpu.memory_space<hbm>>
      %dma_wait3A_209 = tpu.memref_slice %arg13[%rem3A_172, %dma_wait3A_202] : memref<4x3x!tpu.dma_semaphore, #tpu.memory_space<semaphore_mem>> -> memref<1x1x!tpu.dma_semaphore, #tpu.memory_space<semaphore_mem>>
      %dma_wait3A_210 = tpu.memref_squeeze %dma_wait3A_209 : memref<1x1x!tpu.dma_semaphore, #tpu.memory_space<semaphore_mem>> -> memref<!tpu.dma_semaphore, #tpu.memory_space<semaphore_mem>>
      %dma_wait3A_211 = arith.constant 0 : i32
      %dma_wait3A_212 = arith.constant 0 : i32
      %dma_wait3A_213 = tpu.memref_slice %arg11[%rem3A_172, %dma_wait3A_211, %dma_wait3A_212] : memref<4x64x128xf32, #tpu.memory_space<vmem>> -> memref<1x64x128xf32, #tpu.memory_space<vmem>>
      %dma_wait3A_214 = tpu.memref_squeeze %dma_wait3A_213 : memref<1x64x128xf32, #tpu.memory_space<vmem>> -> memref<64x128xf32, #tpu.memory_space<vmem>>
      %dma_wait3A_215 = arith.constant 0 : i32
      %dma_wait3A_216 = tpu.memref_slice %arg2[%add3A_179, %dma_wait3A_215] : memref<16384x128xf32, #tpu.memory_space<hbm>> -> memref<64x128xf32, #tpu.memory_space<hbm>>
      tpu.wait_dma2 semaphore(%dma_wait3A_210 : memref<!tpu.dma_semaphore, #tpu.memory_space<semaphore_mem>>) src(%dma_wait3A_216 : memref<64x128xf32, #tpu.memory_space<hbm>>) dst(%dma_wait3A_214 : memref<64x128xf32, #tpu.memory_space<vmem>>)
      %le3A = arith.constant 4 : i32
      %le3A_217 = arith.cmpi sle, %scan3A_171, %le3A : i32
      %convert_element_type3A = arith.extui %le3A_217 : i1 to i32
      %cond3A = arith.constant 0 : i32
      %cond3A_218 = arith.cmpi ne, %convert_element_type3A, %cond3A : i32
      scf.if %cond3A_218 {
        %add3A_225 = arith.constant 4 : i32
        %add3A_226 = arith.addi %scan3A_171, %add3A_225 : i32
        %sub3A = arith.constant 1 : i32
        %sub3A_227 = arith.subi %add3A_226, %sub3A : i32
        %rem3A_228 = arith.constant 4 : i32
        %rem3A_229 = arith.remsi %sub3A_227, %rem3A_228 : i32
        %mul3A_230 = arith.constant 64 : i32
        %mul3A_231 = arith.muli %sub3A_227, %mul3A_230 : i32
        %mul3A_232 = arith.constant 64 : i32
        %mul3A_233 = arith.muli %sub3A_227, %mul3A_232 : i32
        %mul3A_234 = arith.constant 64 : i32
        %mul3A_235 = arith.muli %sub3A_227, %mul3A_234 : i32
        %add3A_236 = arith.addi %mul3A_2, %mul3A_235 : i32
        %dma_start3A_237 = arith.constant 0 : i32
        %dma_start3A_238 = arith.constant 0 : i32
        %dma_start3A_239 = arith.constant 0 : i32
        %dma_start3A_240 = tpu.memref_slice %arg9[%rem3A_229, %dma_start3A_238, %dma_start3A_239] : memref<4x64x128xf32, #tpu.memory_space<vmem>> -> memref<1x64x128xf32, #tpu.memory_space<vmem>>
        %dma_start3A_241 = tpu.memref_squeeze %dma_start3A_240 : memref<1x64x128xf32, #tpu.memory_space<vmem>> -> memref<64x128xf32, #tpu.memory_space<vmem>>
        %dma_start3A_242 = tpu.memref_slice %arg7[%mul3A_231] : memref<512xi32, #tpu.memory_space<vmem>> -> memref<64xi32, #tpu.memory_space<vmem>>
        %dma_start3A_243 = arith.constant 0 : i32
        %dma_start3A_244 = arith.constant 0 : i32
        %dma_start3A_245 = tpu.memref_slice %arg5[%dma_start3A_243, %dma_start3A_244] : memref<100000x128xf32, #tpu.memory_space<hbm>> -> memref<100000x128xf32, #tpu.memory_space<hbm>>
        %dma_start3A_246 = tpu.memref_slice %arg13[%rem3A_229, %dma_start3A_237] : memref<4x3x!tpu.dma_semaphore, #tpu.memory_space<semaphore_mem>> -> memref<1x1x!tpu.dma_semaphore, #tpu.memory_space<semaphore_mem>>
        %dma_start3A_247 = tpu.memref_squeeze %dma_start3A_246 : memref<1x1x!tpu.dma_semaphore, #tpu.memory_space<semaphore_mem>> -> memref<!tpu.dma_semaphore, #tpu.memory_space<semaphore_mem>>
        tpu.enqueue_indirect_dma source(%dma_start3A_245 : memref<100000x128xf32, #tpu.memory_space<hbm>>) target(%dma_start3A_241 : memref<64x128xf32, #tpu.memory_space<vmem>>) offsets(%dma_start3A_242 : memref<64xi32, #tpu.memory_space<vmem>>) semaphore(%dma_start3A_247 : memref<!tpu.dma_semaphore, #tpu.memory_space<semaphore_mem>>)
        %dma_start3A_248 = arith.constant 1 : i32
        %dma_start3A_249 = arith.constant 0 : i32
        %dma_start3A_250 = arith.constant 0 : i32
        %dma_start3A_251 = tpu.memref_slice %arg10[%rem3A_229, %dma_start3A_249, %dma_start3A_250] : memref<4x64x128xf32, #tpu.memory_space<vmem>> -> memref<1x64x128xf32, #tpu.memory_space<vmem>>
        %dma_start3A_252 = tpu.memref_squeeze %dma_start3A_251 : memref<1x64x128xf32, #tpu.memory_space<vmem>> -> memref<64x128xf32, #tpu.memory_space<vmem>>
        %dma_start3A_253 = tpu.memref_slice %arg8[%mul3A_233] : memref<512xi32, #tpu.memory_space<vmem>> -> memref<64xi32, #tpu.memory_space<vmem>>
        %dma_start3A_254 = arith.constant 0 : i32
        %dma_start3A_255 = arith.constant 0 : i32
        %dma_start3A_256 = tpu.memref_slice %arg5[%dma_start3A_254, %dma_start3A_255] : memref<100000x128xf32, #tpu.memory_space<hbm>> -> memref<100000x128xf32, #tpu.memory_space<hbm>>
        %dma_start3A_257 = tpu.memref_slice %arg13[%rem3A_229, %dma_start3A_248] : memref<4x3x!tpu.dma_semaphore, #tpu.memory_space<semaphore_mem>> -> memref<1x1x!tpu.dma_semaphore, #tpu.memory_space<semaphore_mem>>
        %dma_start3A_258 = tpu.memref_squeeze %dma_start3A_257 : memref<1x1x!tpu.dma_semaphore, #tpu.memory_space<semaphore_mem>> -> memref<!tpu.dma_semaphore, #tpu.memory_space<semaphore_mem>>
        tpu.enqueue_indirect_dma source(%dma_start3A_256 : memref<100000x128xf32, #tpu.memory_space<hbm>>) target(%dma_start3A_252 : memref<64x128xf32, #tpu.memory_space<vmem>>) offsets(%dma_start3A_253 : memref<64xi32, #tpu.memory_space<vmem>>) semaphore(%dma_start3A_258 : memref<!tpu.dma_semaphore, #tpu.memory_space<semaphore_mem>>)
        %dma_start3A_259 = arith.constant 2 : i32
        %dma_start3A_260 = arith.constant 0 : i32
        %dma_start3A_261 = arith.constant 0 : i32
        %dma_start3A_262 = tpu.memref_slice %arg11[%rem3A_229, %dma_start3A_260, %dma_start3A_261] : memref<4x64x128xf32, #tpu.memory_space<vmem>> -> memref<1x64x128xf32, #tpu.memory_space<vmem>>
        %dma_start3A_263 = tpu.memref_squeeze %dma_start3A_262 : memref<1x64x128xf32, #tpu.memory_space<vmem>> -> memref<64x128xf32, #tpu.memory_space<vmem>>
        %dma_start3A_264 = arith.constant 0 : i32
        %dma_start3A_265 = tpu.memref_slice %arg2[%add3A_236, %dma_start3A_264] : memref<16384x128xf32, #tpu.memory_space<hbm>> -> memref<64x128xf32, #tpu.memory_space<hbm>>
        %dma_start3A_266 = tpu.memref_slice %arg13[%rem3A_229, %dma_start3A_259] : memref<4x3x!tpu.dma_semaphore, #tpu.memory_space<semaphore_mem>> -> memref<1x1x!tpu.dma_semaphore, #tpu.memory_space<semaphore_mem>>
        %dma_start3A_267 = tpu.memref_squeeze %dma_start3A_266 : memref<1x1x!tpu.dma_semaphore, #tpu.memory_space<semaphore_mem>> -> memref<!tpu.dma_semaphore, #tpu.memory_space<semaphore_mem>>
        %dma_start3A_268 = arith.constant 0 : i32
        %dma_start3A_269 = arith.constant 0 : i32
        %dma_start3A_270 = tpu.memref_slice %arg11[%rem3A_229, %dma_start3A_268, %dma_start3A_269] : memref<4x64x128xf32, #tpu.memory_space<vmem>> -> memref<1x64x128xf32, #tpu.memory_space<vmem>>
        %dma_start3A_271 = tpu.memref_squeeze %dma_start3A_270 : memref<1x64x128xf32, #tpu.memory_space<vmem>> -> memref<64x128xf32, #tpu.memory_space<vmem>>
        %dma_start3A_272 = arith.constant 0 : i32
        %dma_start3A_273 = tpu.memref_slice %arg2[%add3A_236, %dma_start3A_272] : memref<16384x128xf32, #tpu.memory_space<hbm>> -> memref<64x128xf32, #tpu.memory_space<hbm>>
        tpu.enqueue_dma source(%dma_start3A_273 : memref<64x128xf32, #tpu.memory_space<hbm>>) target(%dma_start3A_271 : memref<64x128xf32, #tpu.memory_space<vmem>>) target_semaphore(%dma_start3A_267 : memref<!tpu.dma_semaphore, #tpu.memory_space<semaphore_mem>>)
      } else {
      }
      %scan3A_219 = arith.constant 0 : i32
      %scan3A_220 = arith.constant 0 : i32
      %scan3A_221 = arith.constant 4 : i32
      %scan3A_222 = arith.addi %scan3A_220, %scan3A_221 : i32
      %scan3A_223 = arith.constant 1 : i32
      scf.for %scan3A_225 = %scan3A_220 to %scan3A_222 step %scan3A_223  : i32 {
        %broadcast_in_dim3A = arith.constant 0.000000e+00 : f32
        %broadcast_in_dim3A_226 = vector.broadcast %broadcast_in_dim3A : f32 to vector<16xf32>
        %scan3A_227 = arith.constant 0 : i32
        %scan3A_228 = arith.constant 16 : i32
        %scan3A_229 = arith.addi %scan3A_227, %scan3A_228 : i32
        %scan3A_230 = arith.constant 2 : i32
        %scan3A_231 = scf.for %scan3A_278 = %scan3A_227 to %scan3A_229 step %scan3A_230 iter_args(%scan3A_279 = %broadcast_in_dim3A_226) -> (vector<16xf32>)  : i32 {
          %mul3A_280 = arith.constant 16 : i32
          %mul3A_281 = arith.muli %scan3A_225, %mul3A_280 : i32
          %add3A_282 = arith.addi %mul3A_281, %scan3A_278 : i32
          %get3A = arith.index_cast %rem3A_172 : i32 to index
          %get3A_283 = arith.index_cast %add3A_282 : i32 to index
          %get3A_284 = arith.constant 0 : index
          %get3A_285 = tpu.vector_load %arg9[%get3A, %get3A_283, %get3A_284] {strides = array<i32>} : memref<4x64x128xf32, #tpu.memory_space<vmem>>, vector<1x1x16xf32>,
          %get3A_286 = vector.shape_cast %get3A_285 : vector<1x1x16xf32> to vector<16xf32>
          %get3A_287 = arith.index_cast %rem3A_172 : i32 to index
          %get3A_288 = arith.index_cast %add3A_282 : i32 to index
          %get3A_289 = arith.constant 0 : index
          %get3A_290 = tpu.vector_load %arg11[%get3A_287, %get3A_288, %get3A_289] {strides = array<i32>} : memref<4x64x128xf32, #tpu.memory_space<vmem>>, vector<1x1x16xf32>,
          %get3A_291 = vector.shape_cast %get3A_290 : vector<1x1x16xf32> to vector<16xf32>
          %get3A_292 = arith.index_cast %rem3A_172 : i32 to index
          %get3A_293 = arith.index_cast %add3A_282 : i32 to index
          %get3A_294 = arith.constant 0 : index
          %get3A_295 = tpu.vector_load %arg10[%get3A_292, %get3A_293, %get3A_294] {strides = array<i32>} : memref<4x64x128xf32, #tpu.memory_space<vmem>>, vector<1x1x16xf32>,
          %get3A_296 = vector.shape_cast %get3A_295 : vector<1x1x16xf32> to vector<16xf32>
          %add3A_297 = arith.addf %get3A_286, %get3A_291 : vector<16xf32>
          %sub3A_298 = arith.subf %add3A_297, %get3A_296 : vector<16xf32>
          %mul3A_299 = arith.mulf %sub3A_298, %sub3A_298 : vector<16xf32>
          %get3A_300 = arith.index_cast %rem3A_172 : i32 to index
          %get3A_301 = arith.index_cast %add3A_282 : i32 to index
          %get3A_302 = arith.constant 16 : index
          %get3A_303 = tpu.vector_load %arg9[%get3A_300, %get3A_301, %get3A_302] {strides = array<i32>} : memref<4x64x128xf32, #tpu.memory_space<vmem>>, vector<1x1x16xf32>,
          %get3A_304 = vector.shape_cast %get3A_303 : vector<1x1x16xf32> to vector<16xf32>
          %get3A_305 = arith.index_cast %rem3A_172 : i32 to index
          %get3A_306 = arith.index_cast %add3A_282 : i32 to index
          %get3A_307 = arith.constant 16 : index
          %get3A_308 = tpu.vector_load %arg11[%get3A_305, %get3A_306, %get3A_307] {strides = array<i32>} : memref<4x64x128xf32, #tpu.memory_space<vmem>>, vector<1x1x16xf32>,
          %get3A_309 = vector.shape_cast %get3A_308 : vector<1x1x16xf32> to vector<16xf32>
          %get3A_310 = arith.index_cast %rem3A_172 : i32 to index
          %get3A_311 = arith.index_cast %add3A_282 : i32 to index
          %get3A_312 = arith.constant 16 : index
          %get3A_313 = tpu.vector_load %arg10[%get3A_310, %get3A_311, %get3A_312] {strides = array<i32>} : memref<4x64x128xf32, #tpu.memory_space<vmem>>, vector<1x1x16xf32>,
          %get3A_314 = vector.shape_cast %get3A_313 : vector<1x1x16xf32> to vector<16xf32>
          %add3A_315 = arith.addf %get3A_304, %get3A_309 : vector<16xf32>
          %sub3A_316 = arith.subf %add3A_315, %get3A_314 : vector<16xf32>
          %mul3A_317 = arith.mulf %sub3A_316, %sub3A_316 : vector<16xf32>
          %add3A_318 = arith.addf %mul3A_299, %mul3A_317 : vector<16xf32>
          %get3A_319 = arith.index_cast %rem3A_172 : i32 to index
          %get3A_320 = arith.index_cast %add3A_282 : i32 to index
          %get3A_321 = arith.constant 32 : index
          %get3A_322 = tpu.vector_load %arg9[%get3A_319, %get3A_320, %get3A_321] {strides = array<i32>} : memref<4x64x128xf32, #tpu.memory_space<vmem>>, vector<1x1x16xf32>,
          %get3A_323 = vector.shape_cast %get3A_322 : vector<1x1x16xf32> to vector<16xf32>
          %get3A_324 = arith.index_cast %rem3A_172 : i32 to index
          %get3A_325 = arith.index_cast %add3A_282 : i32 to index
          %get3A_326 = arith.constant 32 : index
          %get3A_327 = tpu.vector_load %arg11[%get3A_324, %get3A_325, %get3A_326] {strides = array<i32>} : memref<4x64x128xf32, #tpu.memory_space<vmem>>, vector<1x1x16xf32>,
          %get3A_328 = vector.shape_cast %get3A_327 : vector<1x1x16xf32> to vector<16xf32>
          %get3A_329 = arith.index_cast %rem3A_172 : i32 to index
          %get3A_330 = arith.index_cast %add3A_282 : i32 to index
          %get3A_331 = arith.constant 32 : index
          %get3A_332 = tpu.vector_load %arg10[%get3A_329, %get3A_330, %get3A_331] {strides = array<i32>} : memref<4x64x128xf32, #tpu.memory_space<vmem>>, vector<1x1x16xf32>,
          %get3A_333 = vector.shape_cast %get3A_332 : vector<1x1x16xf32> to vector<16xf32>
          %add3A_334 = arith.addf %get3A_323, %get3A_328 : vector<16xf32>
          %sub3A_335 = arith.subf %add3A_334, %get3A_333 : vector<16xf32>
          %mul3A_336 = arith.mulf %sub3A_335, %sub3A_335 : vector<16xf32>
          %add3A_337 = arith.addf %add3A_318, %mul3A_336 : vector<16xf32>
          %get3A_338 = arith.index_cast %rem3A_172 : i32 to index
          %get3A_339 = arith.index_cast %add3A_282 : i32 to index
          %get3A_340 = arith.constant 48 : index
          %get3A_341 = tpu.vector_load %arg9[%get3A_338, %get3A_339, %get3A_340] {strides = array<i32>} : memref<4x64x128xf32, #tpu.memory_space<vmem>>, vector<1x1x16xf32>,
          %get3A_342 = vector.shape_cast %get3A_341 : vector<1x1x16xf32> to vector<16xf32>
          %get3A_343 = arith.index_cast %rem3A_172 : i32 to index
          %get3A_344 = arith.index_cast %add3A_282 : i32 to index
          %get3A_345 = arith.constant 48 : index
          %get3A_346 = tpu.vector_load %arg11[%get3A_343, %get3A_344, %get3A_345] {strides = array<i32>} : memref<4x64x128xf32, #tpu.memory_space<vmem>>, vector<1x1x16xf32>,
          %get3A_347 = vector.shape_cast %get3A_346 : vector<1x1x16xf32> to vector<16xf32>
          %get3A_348 = arith.index_cast %rem3A_172 : i32 to index
          %get3A_349 = arith.index_cast %add3A_282 : i32 to index
          %get3A_350 = arith.constant 48 : index
          %get3A_351 = tpu.vector_load %arg10[%get3A_348, %get3A_349, %get3A_350] {strides = array<i32>} : memref<4x64x128xf32, #tpu.memory_space<vmem>>, vector<1x1x16xf32>,
          %get3A_352 = vector.shape_cast %get3A_351 : vector<1x1x16xf32> to vector<16xf32>
          %add3A_353 = arith.addf %get3A_342, %get3A_347 : vector<16xf32>
          %sub3A_354 = arith.subf %add3A_353, %get3A_352 : vector<16xf32>
          %mul3A_355 = arith.mulf %sub3A_354, %sub3A_354 : vector<16xf32>
          %add3A_356 = arith.addf %add3A_337, %mul3A_355 : vector<16xf32>
          %get3A_357 = arith.index_cast %rem3A_172 : i32 to index
          %get3A_358 = arith.index_cast %add3A_282 : i32 to index
          %get3A_359 = arith.constant 64 : index
          %get3A_360 = tpu.vector_load %arg9[%get3A_357, %get3A_358, %get3A_359] {strides = array<i32>} : memref<4x64x128xf32, #tpu.memory_space<vmem>>, vector<1x1x16xf32>,
          %get3A_361 = vector.shape_cast %get3A_360 : vector<1x1x16xf32> to vector<16xf32>
          %get3A_362 = arith.index_cast %rem3A_172 : i32 to index
          %get3A_363 = arith.index_cast %add3A_282 : i32 to index
          %get3A_364 = arith.constant 64 : index
          %get3A_365 = tpu.vector_load %arg11[%get3A_362, %get3A_363, %get3A_364] {strides = array<i32>} : memref<4x64x128xf32, #tpu.memory_space<vmem>>, vector<1x1x16xf32>,
          %get3A_366 = vector.shape_cast %get3A_365 : vector<1x1x16xf32> to vector<16xf32>
          %get3A_367 = arith.index_cast %rem3A_172 : i32 to index
          %get3A_368 = arith.index_cast %add3A_282 : i32 to index
          %get3A_369 = arith.constant 64 : index
          %get3A_370 = tpu.vector_load %arg10[%get3A_367, %get3A_368, %get3A_369] {strides = array<i32>} : memref<4x64x128xf32, #tpu.memory_space<vmem>>, vector<1x1x16xf32>,
          %get3A_371 = vector.shape_cast %get3A_370 : vector<1x1x16xf32> to vector<16xf32>
          %add3A_372 = arith.addf %get3A_361, %get3A_366 : vector<16xf32>
          %sub3A_373 = arith.subf %add3A_372, %get3A_371 : vector<16xf32>
          %mul3A_374 = arith.mulf %sub3A_373, %sub3A_373 : vector<16xf32>
          %add3A_375 = arith.addf %add3A_356, %mul3A_374 : vector<16xf32>
          %get3A_376 = arith.index_cast %rem3A_172 : i32 to index
          %get3A_377 = arith.index_cast %add3A_282 : i32 to index
          %get3A_378 = arith.constant 80 : index
          %get3A_379 = tpu.vector_load %arg9[%get3A_376, %get3A_377, %get3A_378] {strides = array<i32>} : memref<4x64x128xf32, #tpu.memory_space<vmem>>, vector<1x1x16xf32>,
          %get3A_380 = vector.shape_cast %get3A_379 : vector<1x1x16xf32> to vector<16xf32>
          %get3A_381 = arith.index_cast %rem3A_172 : i32 to index
          %get3A_382 = arith.index_cast %add3A_282 : i32 to index
          %get3A_383 = arith.constant 80 : index
          %get3A_384 = tpu.vector_load %arg11[%get3A_381, %get3A_382, %get3A_383] {strides = array<i32>} : memref<4x64x128xf32, #tpu.memory_space<vmem>>, vector<1x1x16xf32>,
          %get3A_385 = vector.shape_cast %get3A_384 : vector<1x1x16xf32> to vector<16xf32>
          %get3A_386 = arith.index_cast %rem3A_172 : i32 to index
          %get3A_387 = arith.index_cast %add3A_282 : i32 to index
          %get3A_388 = arith.constant 80 : index
          %get3A_389 = tpu.vector_load %arg10[%get3A_386, %get3A_387, %get3A_388] {strides = array<i32>} : memref<4x64x128xf32, #tpu.memory_space<vmem>>, vector<1x1x16xf32>,
          %get3A_390 = vector.shape_cast %get3A_389 : vector<1x1x16xf32> to vector<16xf32>
          %add3A_391 = arith.addf %get3A_380, %get3A_385 : vector<16xf32>
          %sub3A_392 = arith.subf %add3A_391, %get3A_390 : vector<16xf32>
          %mul3A_393 = arith.mulf %sub3A_392, %sub3A_392 : vector<16xf32>
          %add3A_394 = arith.addf %add3A_375, %mul3A_393 : vector<16xf32>
          %get3A_395 = arith.index_cast %rem3A_172 : i32 to index
          %get3A_396 = arith.index_cast %add3A_282 : i32 to index
          %get3A_397 = arith.constant 96 : index
          %get3A_398 = tpu.vector_load %arg9[%get3A_395, %get3A_396, %get3A_397] {strides = array<i32>} : memref<4x64x128xf32, #tpu.memory_space<vmem>>, vector<1x1x16xf32>,
          %get3A_399 = vector.shape_cast %get3A_398 : vector<1x1x16xf32> to vector<16xf32>
          %get3A_400 = arith.index_cast %rem3A_172 : i32 to index
          %get3A_401 = arith.index_cast %add3A_282 : i32 to index
          %get3A_402 = arith.constant 96 : index
          %get3A_403 = tpu.vector_load %arg11[%get3A_400, %get3A_401, %get3A_402] {strides = array<i32>} : memref<4x64x128xf32, #tpu.memory_space<vmem>>, vector<1x1x16xf32>,
          %get3A_404 = vector.shape_cast %get3A_403 : vector<1x1x16xf32> to vector<16xf32>
          %get3A_405 = arith.index_cast %rem3A_172 : i32 to index
          %get3A_406 = arith.index_cast %add3A_282 : i32 to index
          %get3A_407 = arith.constant 96 : index
          %get3A_408 = tpu.vector_load %arg10[%get3A_405, %get3A_406, %get3A_407] {strides = array<i32>} : memref<4x64x128xf32, #tpu.memory_space<vmem>>, vector<1x1x16xf32>,
          %get3A_409 = vector.shape_cast %get3A_408 : vector<1x1x16xf32> to vector<16xf32>
          %add3A_410 = arith.addf %get3A_399, %get3A_404 : vector<16xf32>
          %sub3A_411 = arith.subf %add3A_410, %get3A_409 : vector<16xf32>
          %mul3A_412 = arith.mulf %sub3A_411, %sub3A_411 : vector<16xf32>
          %add3A_413 = arith.addf %add3A_394, %mul3A_412 : vector<16xf32>
          %get3A_414 = arith.index_cast %rem3A_172 : i32 to index
          %get3A_415 = arith.index_cast %add3A_282 : i32 to index
          %get3A_416 = arith.constant 112 : index
          %get3A_417 = tpu.vector_load %arg9[%get3A_414, %get3A_415, %get3A_416] {strides = array<i32>} : memref<4x64x128xf32, #tpu.memory_space<vmem>>, vector<1x1x16xf32>,
          %get3A_418 = vector.shape_cast %get3A_417 : vector<1x1x16xf32> to vector<16xf32>
          %get3A_419 = arith.index_cast %rem3A_172 : i32 to index
          %get3A_420 = arith.index_cast %add3A_282 : i32 to index
          %get3A_421 = arith.constant 112 : index
          %get3A_422 = tpu.vector_load %arg11[%get3A_419, %get3A_420, %get3A_421] {strides = array<i32>} : memref<4x64x128xf32, #tpu.memory_space<vmem>>, vector<1x1x16xf32>,
          %get3A_423 = vector.shape_cast %get3A_422 : vector<1x1x16xf32> to vector<16xf32>
          %get3A_424 = arith.index_cast %rem3A_172 : i32 to index
          %get3A_425 = arith.index_cast %add3A_282 : i32 to index
          %get3A_426 = arith.constant 112 : index
          %get3A_427 = tpu.vector_load %arg10[%get3A_424, %get3A_425, %get3A_426] {strides = array<i32>} : memref<4x64x128xf32, #tpu.memory_space<vmem>>, vector<1x1x16xf32>,
          %get3A_428 = vector.shape_cast %get3A_427 : vector<1x1x16xf32> to vector<16xf32>
          %add3A_429 = arith.addf %get3A_418, %get3A_423 : vector<16xf32>
          %sub3A_430 = arith.subf %add3A_429, %get3A_428 : vector<16xf32>
          %mul3A_431 = arith.mulf %sub3A_430, %sub3A_430 : vector<16xf32>
          %add3A_432 = arith.addf %add3A_413, %mul3A_431 : vector<16xf32>
          %add3A_433 = arith.constant 8 : i32
          %add3A_434 = vector.broadcast %add3A_433 : i32 to vector<16xi32>
          %add3A_435 = arith.addi %iota3A, %add3A_434 : vector<16xi32>
          %jit3A = arith.constant 16 : i32
          %eq3A = arith.constant 0 : i32
          %eq3A_436 = arith.cmpi eq, %jit3A, %eq3A : i32
          %jit3A_437 = arith.constant 1 : i32
          %select_n3A = arith.select %eq3A_436, %jit3A_437, %jit3A : i32
          %rem3A_438 = vector.broadcast %select_n3A : i32 to vector<16xi32>
          %rem3A_439 = arith.remsi %add3A_435, %rem3A_438 : vector<16xi32>
          %ne3A = arith.constant 0 : i32
          %ne3A_440 = vector.broadcast %ne3A : i32 to vector<16xi32>
          %ne3A_441 = arith.cmpi ne, %rem3A_439, %ne3A_440 : vector<16xi32>
          %lt3A = arith.constant 0 : i32
          %lt3A_442 = vector.broadcast %lt3A : i32 to vector<16xi32>
          %lt3A_443 = arith.cmpi slt, %rem3A_439, %lt3A_442 : vector<16xi32>
          %lt3A_444 = arith.constant 0 : i32
          %lt3A_445 = arith.cmpi slt, %select_n3A, %lt3A_444 : i32
          %ne3A_446 = vector.broadcast %lt3A_445 : i1 to vector<16xi1>
          %ne3A_447 = vector.broadcast %ne3A_446 : vector<16xi1> to vector<16xi1>
          %ne3A_448 = arith.xori %lt3A_443, %ne3A_447 : vector<16xi1>
          %and3A = arith.andi %ne3A_448, %ne3A_441 : vector<16xi1>
          %add3A_449 = vector.broadcast %select_n3A : i32 to vector<16xi32>
          %add3A_450 = arith.addi %rem3A_439, %add3A_449 : vector<16xi32>
          %select_n3A_451 = arith.select %and3A, %add3A_450, %rem3A_439 : vector<16xi1>, vector<16xi32>
          %broadcast_in_dim3A_452 = vector.shape_cast %select_n3A_451 : vector<16xi32> to vector<16x1xi32>
          %gather3A = vector.shape_cast %broadcast_in_dim3A_452 : vector<16x1xi32> to vector<16xi32>
          %gather3A_453 = tpu.dynamic_gather %add3A_432[%gather3A] in [0] : vector<16xf32>, vector<16xi32> -> vector<16xf32>
          %add3A_454 = arith.addf %add3A_432, %gather3A_453 : vector<16xf32>
          %add3A_455 = arith.constant 4 : i32
          %add3A_456 = vector.broadcast %add3A_455 : i32 to vector<16xi32>
          %add3A_457 = arith.addi %iota3A, %add3A_456 : vector<16xi32>
          %jit3A_458 = arith.constant 16 : i32
          %eq3A_459 = arith.constant 0 : i32
          %eq3A_460 = arith.cmpi eq, %jit3A_458, %eq3A_459 : i32
          %jit3A_461 = arith.constant 1 : i32
          %select_n3A_462 = arith.select %eq3A_460, %jit3A_461, %jit3A_458 : i32
          %rem3A_463 = vector.broadcast %select_n3A_462 : i32 to vector<16xi32>
          %rem3A_464 = arith.remsi %add3A_457, %rem3A_463 : vector<16xi32>
          %ne3A_465 = arith.constant 0 : i32
          %ne3A_466 = vector.broadcast %ne3A_465 : i32 to vector<16xi32>
          %ne3A_467 = arith.cmpi ne, %rem3A_464, %ne3A_466 : vector<16xi32>
          %lt3A_468 = arith.constant 0 : i32
          %lt3A_469 = vector.broadcast %lt3A_468 : i32 to vector<16xi32>
          %lt3A_470 = arith.cmpi slt, %rem3A_464, %lt3A_469 : vector<16xi32>
          %lt3A_471 = arith.constant 0 : i32
          %lt3A_472 = arith.cmpi slt, %select_n3A_462, %lt3A_471 : i32
          %ne3A_473 = vector.broadcast %lt3A_472 : i1 to vector<16xi1>
          %ne3A_474 = vector.broadcast %ne3A_473 : vector<16xi1> to vector<16xi1>
          %ne3A_475 = arith.xori %lt3A_470, %ne3A_474 : vector<16xi1>
          %and3A_476 = arith.andi %ne3A_475, %ne3A_467 : vector<16xi1>
          %add3A_477 = vector.broadcast %select_n3A_462 : i32 to vector<16xi32>
          %add3A_478 = arith.addi %rem3A_464, %add3A_477 : vector<16xi32>
          %select_n3A_479 = arith.select %and3A_476, %add3A_478, %rem3A_464 : vector<16xi1>, vector<16xi32>
          %broadcast_in_dim3A_480 = vector.shape_cast %select_n3A_479 : vector<16xi32> to vector<16x1xi32>
          %gather3A_481 = vector.shape_cast %broadcast_in_dim3A_480 : vector<16x1xi32> to vector<16xi32>
          %gather3A_482 = tpu.dynamic_gather %add3A_454[%gather3A_481] in [0] : vector<16xf32>, vector<16xi32> -> vector<16xf32>
          %add3A_483 = arith.addf %add3A_454, %gather3A_482 : vector<16xf32>
          %add3A_484 = arith.constant 2 : i32
          %add3A_485 = vector.broadcast %add3A_484 : i32 to vector<16xi32>
          %add3A_486 = arith.addi %iota3A, %add3A_485 : vector<16xi32>
          %jit3A_487 = arith.constant 16 : i32
          %eq3A_488 = arith.constant 0 : i32
          %eq3A_489 = arith.cmpi eq, %jit3A_487, %eq3A_488 : i32
          %jit3A_490 = arith.constant 1 : i32
          %select_n3A_491 = arith.select %eq3A_489, %jit3A_490, %jit3A_487 : i32
          %rem3A_492 = vector.broadcast %select_n3A_491 : i32 to vector<16xi32>
          %rem3A_493 = arith.remsi %add3A_486, %rem3A_492 : vector<16xi32>
          %ne3A_494 = arith.constant 0 : i32
          %ne3A_495 = vector.broadcast %ne3A_494 : i32 to vector<16xi32>
          %ne3A_496 = arith.cmpi ne, %rem3A_493, %ne3A_495 : vector<16xi32>
          %lt3A_497 = arith.constant 0 : i32
          %lt3A_498 = vector.broadcast %lt3A_497 : i32 to vector<16xi32>
          %lt3A_499 = arith.cmpi slt, %rem3A_493, %lt3A_498 : vector<16xi32>
          %lt3A_500 = arith.constant 0 : i32
          %lt3A_501 = arith.cmpi slt, %select_n3A_491, %lt3A_500 : i32
          %ne3A_502 = vector.broadcast %lt3A_501 : i1 to vector<16xi1>
          %ne3A_503 = vector.broadcast %ne3A_502 : vector<16xi1> to vector<16xi1>
          %ne3A_504 = arith.xori %lt3A_499, %ne3A_503 : vector<16xi1>
          %and3A_505 = arith.andi %ne3A_504, %ne3A_496 : vector<16xi1>
          %add3A_506 = vector.broadcast %select_n3A_491 : i32 to vector<16xi32>
          %add3A_507 = arith.addi %rem3A_493, %add3A_506 : vector<16xi32>
          %select_n3A_508 = arith.select %and3A_505, %add3A_507, %rem3A_493 : vector<16xi1>, vector<16xi32>
          %broadcast_in_dim3A_509 = vector.shape_cast %select_n3A_508 : vector<16xi32> to vector<16x1xi32>
          %gather3A_510 = vector.shape_cast %broadcast_in_dim3A_509 : vector<16x1xi32> to vector<16xi32>
          %gather3A_511 = tpu.dynamic_gather %add3A_483[%gather3A_510] in [0] : vector<16xf32>, vector<16xi32> -> vector<16xf32>
          %add3A_512 = arith.addf %add3A_483, %gather3A_511 : vector<16xf32>
          %add3A_513 = arith.constant 1 : i32
          %add3A_514 = vector.broadcast %add3A_513 : i32 to vector<16xi32>
          %add3A_515 = arith.addi %iota3A, %add3A_514 : vector<16xi32>
          %jit3A_516 = arith.constant 16 : i32
          %eq3A_517 = arith.constant 0 : i32
          %eq3A_518 = arith.cmpi eq, %jit3A_516, %eq3A_517 : i32
          %jit3A_519 = arith.constant 1 : i32
          %select_n3A_520 = arith.select %eq3A_518, %jit3A_519, %jit3A_516 : i32
          %rem3A_521 = vector.broadcast %select_n3A_520 : i32 to vector<16xi32>
          %rem3A_522 = arith.remsi %add3A_515, %rem3A_521 : vector<16xi32>
          %ne3A_523 = arith.constant 0 : i32
          %ne3A_524 = vector.broadcast %ne3A_523 : i32 to vector<16xi32>
          %ne3A_525 = arith.cmpi ne, %rem3A_522, %ne3A_524 : vector<16xi32>
          %lt3A_526 = arith.constant 0 : i32
          %lt3A_527 = vector.broadcast %lt3A_526 : i32 to vector<16xi32>
          %lt3A_528 = arith.cmpi slt, %rem3A_522, %lt3A_527 : vector<16xi32>
          %lt3A_529 = arith.constant 0 : i32
          %lt3A_530 = arith.cmpi slt, %select_n3A_520, %lt3A_529 : i32
          %ne3A_531 = vector.broadcast %lt3A_530 : i1 to vector<16xi1>
          %ne3A_532 = vector.broadcast %ne3A_531 : vector<16xi1> to vector<16xi1>
          %ne3A_533 = arith.xori %lt3A_528, %ne3A_532 : vector<16xi1>
          %and3A_534 = arith.andi %ne3A_533, %ne3A_525 : vector<16xi1>
          %add3A_535 = vector.broadcast %select_n3A_520 : i32 to vector<16xi32>
          %add3A_536 = arith.addi %rem3A_522, %add3A_535 : vector<16xi32>
          %select_n3A_537 = arith.select %and3A_534, %add3A_536, %rem3A_522 : vector<16xi1>, vector<16xi32>
          %broadcast_in_dim3A_538 = vector.shape_cast %select_n3A_537 : vector<16xi32> to vector<16x1xi32>
          %gather3A_539 = vector.shape_cast %broadcast_in_dim3A_538 : vector<16x1xi32> to vector<16xi32>
          %gather3A_540 = tpu.dynamic_gather %add3A_512[%gather3A_539] in [0] : vector<16xf32>, vector<16xi32> -> vector<16xf32>
          %add3A_541 = arith.addf %add3A_512, %gather3A_540 : vector<16xf32>
          %eq3A_542 = vector.broadcast %scan3A_278 : i32 to vector<16xi32>
          %eq3A_543 = arith.cmpi eq, %iota3A, %eq3A_542 : vector<16xi32>
          %select_n3A_544 = arith.select %eq3A_543, %add3A_541, %scan3A_279 : vector<16xi1>, vector<16xf32>
          %scan3A_545 = arith.constant 1 : i32
          %scan3A_546 = arith.addi %scan3A_278, %scan3A_545 : i32
          %mul3A_547 = arith.constant 16 : i32
          %mul3A_548 = arith.muli %scan3A_225, %mul3A_547 : i32
          %add3A_549 = arith.addi %mul3A_548, %scan3A_546 : i32
          %get3A_550 = arith.index_cast %rem3A_172 : i32 to index
          %get3A_551 = arith.index_cast %add3A_549 : i32 to index
          %get3A_552 = arith.constant 0 : index
          %get3A_553 = tpu.vector_load %arg9[%get3A_550, %get3A_551, %get3A_552] {strides = array<i32>} : memref<4x64x128xf32, #tpu.memory_space<vmem>>, vector<1x1x16xf32>,
          %get3A_554 = vector.shape_cast %get3A_553 : vector<1x1x16xf32> to vector<16xf32>
          %get3A_555 = arith.index_cast %rem3A_172 : i32 to index
          %get3A_556 = arith.index_cast %add3A_549 : i32 to index
          %get3A_557 = arith.constant 0 : index
          %get3A_558 = tpu.vector_load %arg11[%get3A_555, %get3A_556, %get3A_557] {strides = array<i32>} : memref<4x64x128xf32, #tpu.memory_space<vmem>>, vector<1x1x16xf32>,
          %get3A_559 = vector.shape_cast %get3A_558 : vector<1x1x16xf32> to vector<16xf32>
          %get3A_560 = arith.index_cast %rem3A_172 : i32 to index
          %get3A_561 = arith.index_cast %add3A_549 : i32 to index
          %get3A_562 = arith.constant 0 : index
          %get3A_563 = tpu.vector_load %arg10[%get3A_560, %get3A_561, %get3A_562] {strides = array<i32>} : memref<4x64x128xf32, #tpu.memory_space<vmem>>, vector<1x1x16xf32>,
          %get3A_564 = vector.shape_cast %get3A_563 : vector<1x1x16xf32> to vector<16xf32>
          %add3A_565 = arith.addf %get3A_554, %get3A_559 : vector<16xf32>
          %sub3A_566 = arith.subf %add3A_565, %get3A_564 : vector<16xf32>
          %mul3A_567 = arith.mulf %sub3A_566, %sub3A_566 : vector<16xf32>
          %get3A_568 = arith.index_cast %rem3A_172 : i32 to index
          %get3A_569 = arith.index_cast %add3A_549 : i32 to index
          %get3A_570 = arith.constant 16 : index
          %get3A_571 = tpu.vector_load %arg9[%get3A_568, %get3A_569, %get3A_570] {strides = array<i32>} : memref<4x64x128xf32, #tpu.memory_space<vmem>>, vector<1x1x16xf32>,
          %get3A_572 = vector.shape_cast %get3A_571 : vector<1x1x16xf32> to vector<16xf32>
          %get3A_573 = arith.index_cast %rem3A_172 : i32 to index
          %get3A_574 = arith.index_cast %add3A_549 : i32 to index
          %get3A_575 = arith.constant 16 : index
          %get3A_576 = tpu.vector_load %arg11[%get3A_573, %get3A_574, %get3A_575] {strides = array<i32>} : memref<4x64x128xf32, #tpu.memory_space<vmem>>, vector<1x1x16xf32>,
          %get3A_577 = vector.shape_cast %get3A_576 : vector<1x1x16xf32> to vector<16xf32>
          %get3A_578 = arith.index_cast %rem3A_172 : i32 to index
          %get3A_579 = arith.index_cast %add3A_549 : i32 to index
          %get3A_580 = arith.constant 16 : index
          %get3A_581 = tpu.vector_load %arg10[%get3A_578, %get3A_579, %get3A_580] {strides = array<i32>} : memref<4x64x128xf32, #tpu.memory_space<vmem>>, vector<1x1x16xf32>,
          %get3A_582 = vector.shape_cast %get3A_581 : vector<1x1x16xf32> to vector<16xf32>
          %add3A_583 = arith.addf %get3A_572, %get3A_577 : vector<16xf32>
          %sub3A_584 = arith.subf %add3A_583, %get3A_582 : vector<16xf32>
          %mul3A_585 = arith.mulf %sub3A_584, %sub3A_584 : vector<16xf32>
          %add3A_586 = arith.addf %mul3A_567, %mul3A_585 : vector<16xf32>
          %get3A_587 = arith.index_cast %rem3A_172 : i32 to index
          %get3A_588 = arith.index_cast %add3A_549 : i32 to index
          %get3A_589 = arith.constant 32 : index
          %get3A_590 = tpu.vector_load %arg9[%get3A_587, %get3A_588, %get3A_589] {strides = array<i32>} : memref<4x64x128xf32, #tpu.memory_space<vmem>>, vector<1x1x16xf32>,
          %get3A_591 = vector.shape_cast %get3A_590 : vector<1x1x16xf32> to vector<16xf32>
          %get3A_592 = arith.index_cast %rem3A_172 : i32 to index
          %get3A_593 = arith.index_cast %add3A_549 : i32 to index
          %get3A_594 = arith.constant 32 : index
          %get3A_595 = tpu.vector_load %arg11[%get3A_592, %get3A_593, %get3A_594] {strides = array<i32>} : memref<4x64x128xf32, #tpu.memory_space<vmem>>, vector<1x1x16xf32>,
          %get3A_596 = vector.shape_cast %get3A_595 : vector<1x1x16xf32> to vector<16xf32>
          %get3A_597 = arith.index_cast %rem3A_172 : i32 to index
          %get3A_598 = arith.index_cast %add3A_549 : i32 to index
          %get3A_599 = arith.constant 32 : index
          %get3A_600 = tpu.vector_load %arg10[%get3A_597, %get3A_598, %get3A_599] {strides = array<i32>} : memref<4x64x128xf32, #tpu.memory_space<vmem>>, vector<1x1x16xf32>,
          %get3A_601 = vector.shape_cast %get3A_600 : vector<1x1x16xf32> to vector<16xf32>
          %add3A_602 = arith.addf %get3A_591, %get3A_596 : vector<16xf32>
          %sub3A_603 = arith.subf %add3A_602, %get3A_601 : vector<16xf32>
          %mul3A_604 = arith.mulf %sub3A_603, %sub3A_603 : vector<16xf32>
          %add3A_605 = arith.addf %add3A_586, %mul3A_604 : vector<16xf32>
          %get3A_606 = arith.index_cast %rem3A_172 : i32 to index
          %get3A_607 = arith.index_cast %add3A_549 : i32 to index
          %get3A_608 = arith.constant 48 : index
          %get3A_609 = tpu.vector_load %arg9[%get3A_606, %get3A_607, %get3A_608] {strides = array<i32>} : memref<4x64x128xf32, #tpu.memory_space<vmem>>, vector<1x1x16xf32>,
          %get3A_610 = vector.shape_cast %get3A_609 : vector<1x1x16xf32> to vector<16xf32>
          %get3A_611 = arith.index_cast %rem3A_172 : i32 to index
          %get3A_612 = arith.index_cast %add3A_549 : i32 to index
          %get3A_613 = arith.constant 48 : index
          %get3A_614 = tpu.vector_load %arg11[%get3A_611, %get3A_612, %get3A_613] {strides = array<i32>} : memref<4x64x128xf32, #tpu.memory_space<vmem>>, vector<1x1x16xf32>,
          %get3A_615 = vector.shape_cast %get3A_614 : vector<1x1x16xf32> to vector<16xf32>
          %get3A_616 = arith.index_cast %rem3A_172 : i32 to index
          %get3A_617 = arith.index_cast %add3A_549 : i32 to index
          %get3A_618 = arith.constant 48 : index
          %get3A_619 = tpu.vector_load %arg10[%get3A_616, %get3A_617, %get3A_618] {strides = array<i32>} : memref<4x64x128xf32, #tpu.memory_space<vmem>>, vector<1x1x16xf32>,
          %get3A_620 = vector.shape_cast %get3A_619 : vector<1x1x16xf32> to vector<16xf32>
          %add3A_621 = arith.addf %get3A_610, %get3A_615 : vector<16xf32>
          %sub3A_622 = arith.subf %add3A_621, %get3A_620 : vector<16xf32>
          %mul3A_623 = arith.mulf %sub3A_622, %sub3A_622 : vector<16xf32>
          %add3A_624 = arith.addf %add3A_605, %mul3A_623 : vector<16xf32>
          %get3A_625 = arith.index_cast %rem3A_172 : i32 to index
          %get3A_626 = arith.index_cast %add3A_549 : i32 to index
          %get3A_627 = arith.constant 64 : index
          %get3A_628 = tpu.vector_load %arg9[%get3A_625, %get3A_626, %get3A_627] {strides = array<i32>} : memref<4x64x128xf32, #tpu.memory_space<vmem>>, vector<1x1x16xf32>,
          %get3A_629 = vector.shape_cast %get3A_628 : vector<1x1x16xf32> to vector<16xf32>
          %get3A_630 = arith.index_cast %rem3A_172 : i32 to index
          %get3A_631 = arith.index_cast %add3A_549 : i32 to index
          %get3A_632 = arith.constant 64 : index
          %get3A_633 = tpu.vector_load %arg11[%get3A_630, %get3A_631, %get3A_632] {strides = array<i32>} : memref<4x64x128xf32, #tpu.memory_space<vmem>>, vector<1x1x16xf32>,
          %get3A_634 = vector.shape_cast %get3A_633 : vector<1x1x16xf32> to vector<16xf32>
          %get3A_635 = arith.index_cast %rem3A_172 : i32 to index
          %get3A_636 = arith.index_cast %add3A_549 : i32 to index
          %get3A_637 = arith.constant 64 : index
          %get3A_638 = tpu.vector_load %arg10[%get3A_635, %get3A_636, %get3A_637] {strides = array<i32>} : memref<4x64x128xf32, #tpu.memory_space<vmem>>, vector<1x1x16xf32>,
          %get3A_639 = vector.shape_cast %get3A_638 : vector<1x1x16xf32> to vector<16xf32>
          %add3A_640 = arith.addf %get3A_629, %get3A_634 : vector<16xf32>
          %sub3A_641 = arith.subf %add3A_640, %get3A_639 : vector<16xf32>
          %mul3A_642 = arith.mulf %sub3A_641, %sub3A_641 : vector<16xf32>
          %add3A_643 = arith.addf %add3A_624, %mul3A_642 : vector<16xf32>
          %get3A_644 = arith.index_cast %rem3A_172 : i32 to index
          %get3A_645 = arith.index_cast %add3A_549 : i32 to index
          %get3A_646 = arith.constant 80 : index
          %get3A_647 = tpu.vector_load %arg9[%get3A_644, %get3A_645, %get3A_646] {strides = array<i32>} : memref<4x64x128xf32, #tpu.memory_space<vmem>>, vector<1x1x16xf32>,
          %get3A_648 = vector.shape_cast %get3A_647 : vector<1x1x16xf32> to vector<16xf32>
          %get3A_649 = arith.index_cast %rem3A_172 : i32 to index
          %get3A_650 = arith.index_cast %add3A_549 : i32 to index
          %get3A_651 = arith.constant 80 : index
          %get3A_652 = tpu.vector_load %arg11[%get3A_649, %get3A_650, %get3A_651] {strides = array<i32>} : memref<4x64x128xf32, #tpu.memory_space<vmem>>, vector<1x1x16xf32>,
          %get3A_653 = vector.shape_cast %get3A_652 : vector<1x1x16xf32> to vector<16xf32>
          %get3A_654 = arith.index_cast %rem3A_172 : i32 to index
          %get3A_655 = arith.index_cast %add3A_549 : i32 to index
          %get3A_656 = arith.constant 80 : index
          %get3A_657 = tpu.vector_load %arg10[%get3A_654, %get3A_655, %get3A_656] {strides = array<i32>} : memref<4x64x128xf32, #tpu.memory_space<vmem>>, vector<1x1x16xf32>,
          %get3A_658 = vector.shape_cast %get3A_657 : vector<1x1x16xf32> to vector<16xf32>
          %add3A_659 = arith.addf %get3A_648, %get3A_653 : vector<16xf32>
          %sub3A_660 = arith.subf %add3A_659, %get3A_658 : vector<16xf32>
          %mul3A_661 = arith.mulf %sub3A_660, %sub3A_660 : vector<16xf32>
          %add3A_662 = arith.addf %add3A_643, %mul3A_661 : vector<16xf32>
          %get3A_663 = arith.index_cast %rem3A_172 : i32 to index
          %get3A_664 = arith.index_cast %add3A_549 : i32 to index
          %get3A_665 = arith.constant 96 : index
          %get3A_666 = tpu.vector_load %arg9[%get3A_663, %get3A_664, %get3A_665] {strides = array<i32>} : memref<4x64x128xf32, #tpu.memory_space<vmem>>, vector<1x1x16xf32>,
          %get3A_667 = vector.shape_cast %get3A_666 : vector<1x1x16xf32> to vector<16xf32>
          %get3A_668 = arith.index_cast %rem3A_172 : i32 to index
          %get3A_669 = arith.index_cast %add3A_549 : i32 to index
          %get3A_670 = arith.constant 96 : index
          %get3A_671 = tpu.vector_load %arg11[%get3A_668, %get3A_669, %get3A_670] {strides = array<i32>} : memref<4x64x128xf32, #tpu.memory_space<vmem>>, vector<1x1x16xf32>,
          %get3A_672 = vector.shape_cast %get3A_671 : vector<1x1x16xf32> to vector<16xf32>
          %get3A_673 = arith.index_cast %rem3A_172 : i32 to index
          %get3A_674 = arith.index_cast %add3A_549 : i32 to index
          %get3A_675 = arith.constant 96 : index
          %get3A_676 = tpu.vector_load %arg10[%get3A_673, %get3A_674, %get3A_675] {strides = array<i32>} : memref<4x64x128xf32, #tpu.memory_space<vmem>>, vector<1x1x16xf32>,
          %get3A_677 = vector.shape_cast %get3A_676 : vector<1x1x16xf32> to vector<16xf32>
          %add3A_678 = arith.addf %get3A_667, %get3A_672 : vector<16xf32>
          %sub3A_679 = arith.subf %add3A_678, %get3A_677 : vector<16xf32>
          %mul3A_680 = arith.mulf %sub3A_679, %sub3A_679 : vector<16xf32>
          %add3A_681 = arith.addf %add3A_662, %mul3A_680 : vector<16xf32>
          %get3A_682 = arith.index_cast %rem3A_172 : i32 to index
          %get3A_683 = arith.index_cast %add3A_549 : i32 to index
          %get3A_684 = arith.constant 112 : index
          %get3A_685 = tpu.vector_load %arg9[%get3A_682, %get3A_683, %get3A_684] {strides = array<i32>} : memref<4x64x128xf32, #tpu.memory_space<vmem>>, vector<1x1x16xf32>,
          %get3A_686 = vector.shape_cast %get3A_685 : vector<1x1x16xf32> to vector<16xf32>
          %get3A_687 = arith.index_cast %rem3A_172 : i32 to index
          %get3A_688 = arith.index_cast %add3A_549 : i32 to index
          %get3A_689 = arith.constant 112 : index
          %get3A_690 = tpu.vector_load %arg11[%get3A_687, %get3A_688, %get3A_689] {strides = array<i32>} : memref<4x64x128xf32, #tpu.memory_space<vmem>>, vector<1x1x16xf32>,
          %get3A_691 = vector.shape_cast %get3A_690 : vector<1x1x16xf32> to vector<16xf32>
          %get3A_692 = arith.index_cast %rem3A_172 : i32 to index
          %get3A_693 = arith.index_cast %add3A_549 : i32 to index
          %get3A_694 = arith.constant 112 : index
          %get3A_695 = tpu.vector_load %arg10[%get3A_692, %get3A_693, %get3A_694] {strides = array<i32>} : memref<4x64x128xf32, #tpu.memory_space<vmem>>, vector<1x1x16xf32>,
          %get3A_696 = vector.shape_cast %get3A_695 : vector<1x1x16xf32> to vector<16xf32>
          %add3A_697 = arith.addf %get3A_686, %get3A_691 : vector<16xf32>
          %sub3A_698 = arith.subf %add3A_697, %get3A_696 : vector<16xf32>
          %mul3A_699 = arith.mulf %sub3A_698, %sub3A_698 : vector<16xf32>
          %add3A_700 = arith.addf %add3A_681, %mul3A_699 : vector<16xf32>
          %add3A_701 = arith.constant 8 : i32
          %add3A_702 = vector.broadcast %add3A_701 : i32 to vector<16xi32>
          %add3A_703 = arith.addi %iota3A, %add3A_702 : vector<16xi32>
          %jit3A_704 = arith.constant 16 : i32
          %eq3A_705 = arith.constant 0 : i32
          %eq3A_706 = arith.cmpi eq, %jit3A_704, %eq3A_705 : i32
          %jit3A_707 = arith.constant 1 : i32
          %select_n3A_708 = arith.select %eq3A_706, %jit3A_707, %jit3A_704 : i32
          %rem3A_709 = vector.broadcast %select_n3A_708 : i32 to vector<16xi32>
          %rem3A_710 = arith.remsi %add3A_703, %rem3A_709 : vector<16xi32>
          %ne3A_711 = arith.constant 0 : i32
          %ne3A_712 = vector.broadcast %ne3A_711 : i32 to vector<16xi32>
          %ne3A_713 = arith.cmpi ne, %rem3A_710, %ne3A_712 : vector<16xi32>
          %lt3A_714 = arith.constant 0 : i32
          %lt3A_715 = vector.broadcast %lt3A_714 : i32 to vector<16xi32>
          %lt3A_716 = arith.cmpi slt, %rem3A_710, %lt3A_715 : vector<16xi32>
          %lt3A_717 = arith.constant 0 : i32
          %lt3A_718 = arith.cmpi slt, %select_n3A_708, %lt3A_717 : i32
          %ne3A_719 = vector.broadcast %lt3A_718 : i1 to vector<16xi1>
          %ne3A_720 = vector.broadcast %ne3A_719 : vector<16xi1> to vector<16xi1>
          %ne3A_721 = arith.xori %lt3A_716, %ne3A_720 : vector<16xi1>
          %and3A_722 = arith.andi %ne3A_721, %ne3A_713 : vector<16xi1>
          %add3A_723 = vector.broadcast %select_n3A_708 : i32 to vector<16xi32>
          %add3A_724 = arith.addi %rem3A_710, %add3A_723 : vector<16xi32>
          %select_n3A_725 = arith.select %and3A_722, %add3A_724, %rem3A_710 : vector<16xi1>, vector<16xi32>
          %broadcast_in_dim3A_726 = vector.shape_cast %select_n3A_725 : vector<16xi32> to vector<16x1xi32>
          %gather3A_727 = vector.shape_cast %broadcast_in_dim3A_726 : vector<16x1xi32> to vector<16xi32>
          %gather3A_728 = tpu.dynamic_gather %add3A_700[%gather3A_727] in [0] : vector<16xf32>, vector<16xi32> -> vector<16xf32>
          %add3A_729 = arith.addf %add3A_700, %gather3A_728 : vector<16xf32>
          %add3A_730 = arith.constant 4 : i32
          %add3A_731 = vector.broadcast %add3A_730 : i32 to vector<16xi32>
          %add3A_732 = arith.addi %iota3A, %add3A_731 : vector<16xi32>
          %jit3A_733 = arith.constant 16 : i32
          %eq3A_734 = arith.constant 0 : i32
          %eq3A_735 = arith.cmpi eq, %jit3A_733, %eq3A_734 : i32
          %jit3A_736 = arith.constant 1 : i32
          %select_n3A_737 = arith.select %eq3A_735, %jit3A_736, %jit3A_733 : i32
          %rem3A_738 = vector.broadcast %select_n3A_737 : i32 to vector<16xi32>
          %rem3A_739 = arith.remsi %add3A_732, %rem3A_738 : vector<16xi32>
          %ne3A_740 = arith.constant 0 : i32
          %ne3A_741 = vector.broadcast %ne3A_740 : i32 to vector<16xi32>
          %ne3A_742 = arith.cmpi ne, %rem3A_739, %ne3A_741 : vector<16xi32>
          %lt3A_743 = arith.constant 0 : i32
          %lt3A_744 = vector.broadcast %lt3A_743 : i32 to vector<16xi32>
          %lt3A_745 = arith.cmpi slt, %rem3A_739, %lt3A_744 : vector<16xi32>
          %lt3A_746 = arith.constant 0 : i32
          %lt3A_747 = arith.cmpi slt, %select_n3A_737, %lt3A_746 : i32
          %ne3A_748 = vector.broadcast %lt3A_747 : i1 to vector<16xi1>
          %ne3A_749 = vector.broadcast %ne3A_748 : vector<16xi1> to vector<16xi1>
          %ne3A_750 = arith.xori %lt3A_745, %ne3A_749 : vector<16xi1>
          %and3A_751 = arith.andi %ne3A_750, %ne3A_742 : vector<16xi1>
          %add3A_752 = vector.broadcast %select_n3A_737 : i32 to vector<16xi32>
          %add3A_753 = arith.addi %rem3A_739, %add3A_752 : vector<16xi32>
          %select_n3A_754 = arith.select %and3A_751, %add3A_753, %rem3A_739 : vector<16xi1>, vector<16xi32>
          %broadcast_in_dim3A_755 = vector.shape_cast %select_n3A_754 : vector<16xi32> to vector<16x1xi32>
          %gather3A_756 = vector.shape_cast %broadcast_in_dim3A_755 : vector<16x1xi32> to vector<16xi32>
          %gather3A_757 = tpu.dynamic_gather %add3A_729[%gather3A_756] in [0] : vector<16xf32>, vector<16xi32> -> vector<16xf32>
          %add3A_758 = arith.addf %add3A_729, %gather3A_757 : vector<16xf32>
          %add3A_759 = arith.constant 2 : i32
          %add3A_760 = vector.broadcast %add3A_759 : i32 to vector<16xi32>
          %add3A_761 = arith.addi %iota3A, %add3A_760 : vector<16xi32>
          %jit3A_762 = arith.constant 16 : i32
          %eq3A_763 = arith.constant 0 : i32
          %eq3A_764 = arith.cmpi eq, %jit3A_762, %eq3A_763 : i32
          %jit3A_765 = arith.constant 1 : i32
          %select_n3A_766 = arith.select %eq3A_764, %jit3A_765, %jit3A_762 : i32
          %rem3A_767 = vector.broadcast %select_n3A_766 : i32 to vector<16xi32>
          %rem3A_768 = arith.remsi %add3A_761, %rem3A_767 : vector<16xi32>
          %ne3A_769 = arith.constant 0 : i32
          %ne3A_770 = vector.broadcast %ne3A_769 : i32 to vector<16xi32>
          %ne3A_771 = arith.cmpi ne, %rem3A_768, %ne3A_770 : vector<16xi32>
          %lt3A_772 = arith.constant 0 : i32
          %lt3A_773 = vector.broadcast %lt3A_772 : i32 to vector<16xi32>
          %lt3A_774 = arith.cmpi slt, %rem3A_768, %lt3A_773 : vector<16xi32>
          %lt3A_775 = arith.constant 0 : i32
          %lt3A_776 = arith.cmpi slt, %select_n3A_766, %lt3A_775 : i32
          %ne3A_777 = vector.broadcast %lt3A_776 : i1 to vector<16xi1>
          %ne3A_778 = vector.broadcast %ne3A_777 : vector<16xi1> to vector<16xi1>
          %ne3A_779 = arith.xori %lt3A_774, %ne3A_778 : vector<16xi1>
          %and3A_780 = arith.andi %ne3A_779, %ne3A_771 : vector<16xi1>
          %add3A_781 = vector.broadcast %select_n3A_766 : i32 to vector<16xi32>
          %add3A_782 = arith.addi %rem3A_768, %add3A_781 : vector<16xi32>
          %select_n3A_783 = arith.select %and3A_780, %add3A_782, %rem3A_768 : vector<16xi1>, vector<16xi32>
          %broadcast_in_dim3A_784 = vector.shape_cast %select_n3A_783 : vector<16xi32> to vector<16x1xi32>
          %gather3A_785 = vector.shape_cast %broadcast_in_dim3A_784 : vector<16x1xi32> to vector<16xi32>
          %gather3A_786 = tpu.dynamic_gather %add3A_758[%gather3A_785] in [0] : vector<16xf32>, vector<16xi32> -> vector<16xf32>
          %add3A_787 = arith.addf %add3A_758, %gather3A_786 : vector<16xf32>
          %add3A_788 = arith.constant 1 : i32
          %add3A_789 = vector.broadcast %add3A_788 : i32 to vector<16xi32>
          %add3A_790 = arith.addi %iota3A, %add3A_789 : vector<16xi32>
          %jit3A_791 = arith.constant 16 : i32
          %eq3A_792 = arith.constant 0 : i32
          %eq3A_793 = arith.cmpi eq, %jit3A_791, %eq3A_792 : i32
          %jit3A_794 = arith.constant 1 : i32
          %select_n3A_795 = arith.select %eq3A_793, %jit3A_794, %jit3A_791 : i32
          %rem3A_796 = vector.broadcast %select_n3A_795 : i32 to vector<16xi32>
          %rem3A_797 = arith.remsi %add3A_790, %rem3A_796 : vector<16xi32>
          %ne3A_798 = arith.constant 0 : i32
          %ne3A_799 = vector.broadcast %ne3A_798 : i32 to vector<16xi32>
          %ne3A_800 = arith.cmpi ne, %rem3A_797, %ne3A_799 : vector<16xi32>
          %lt3A_801 = arith.constant 0 : i32
          %lt3A_802 = vector.broadcast %lt3A_801 : i32 to vector<16xi32>
          %lt3A_803 = arith.cmpi slt, %rem3A_797, %lt3A_802 : vector<16xi32>
          %lt3A_804 = arith.constant 0 : i32
          %lt3A_805 = arith.cmpi slt, %select_n3A_795, %lt3A_804 : i32
          %ne3A_806 = vector.broadcast %lt3A_805 : i1 to vector<16xi1>
          %ne3A_807 = vector.broadcast %ne3A_806 : vector<16xi1> to vector<16xi1>
          %ne3A_808 = arith.xori %lt3A_803, %ne3A_807 : vector<16xi1>
          %and3A_809 = arith.andi %ne3A_808, %ne3A_800 : vector<16xi1>
          %add3A_810 = vector.broadcast %select_n3A_795 : i32 to vector<16xi32>
          %add3A_811 = arith.addi %rem3A_797, %add3A_810 : vector<16xi32>
          %select_n3A_812 = arith.select %and3A_809, %add3A_811, %rem3A_797 : vector<16xi1>, vector<16xi32>
          %broadcast_in_dim3A_813 = vector.shape_cast %select_n3A_812 : vector<16xi32> to vector<16x1xi32>
          %gather3A_814 = vector.shape_cast %broadcast_in_dim3A_813 : vector<16x1xi32> to vector<16xi32>
          %gather3A_815 = tpu.dynamic_gather %add3A_787[%gather3A_814] in [0] : vector<16xf32>, vector<16xi32> -> vector<16xf32>
          %add3A_816 = arith.addf %add3A_787, %gather3A_815 : vector<16xf32>
          %eq3A_817 = vector.broadcast %scan3A_546 : i32 to vector<16xi32>
          %eq3A_818 = arith.cmpi eq, %iota3A, %eq3A_817 : vector<16xi32>
          %select_n3A_819 = arith.select %eq3A_818, %add3A_816, %select_n3A_544 : vector<16xi1>, vector<16xf32>
          scf.yield %select_n3A_819 : vector<16xf32>
        }
        %scan3A_232 = arith.constant 16 : i32
        %max3A = arith.constant 1.000000e-35 : f32
        %max3A_233 = vector.broadcast %max3A : f32 to vector<16xf32>
        %max3A_234 = arith.maximumf %scan3A_231, %max3A_233 : vector<16xf32>
        %bitcast_convert_type3A = tpu.bitcast %max3A_234 : vector<16xf32> -> vector<16xi32>
        %shift_right_logical3A = arith.constant 1 : i32
        %shift_right_logical3A_235 = vector.broadcast %shift_right_logical3A : i32 to vector<16xi32>
        %shift_right_logical3A_236 = arith.shrui %bitcast_convert_type3A, %shift_right_logical3A_235 : vector<16xi32>
        %sub3A = arith.constant 1597463007 : i32
        %sub3A_237 = vector.broadcast %sub3A : i32 to vector<16xi32>
        %sub3A_238 = arith.subi %sub3A_237, %shift_right_logical3A_236 : vector<16xi32>
        %bitcast_convert_type3A_239 = tpu.bitcast %sub3A_238 : vector<16xi32> -> vector<16xf32>
        %mul3A_240 = arith.constant 5.000000e-01 : f32
        %mul3A_241 = vector.broadcast %mul3A_240 : f32 to vector<16xf32>
        %mul3A_242 = arith.mulf %mul3A_241, %max3A_234 : vector<16xf32>
        %mul3A_243 = arith.mulf %mul3A_242, %bitcast_convert_type3A_239 : vector<16xf32>
        %mul3A_244 = arith.mulf %mul3A_243, %bitcast_convert_type3A_239 : vector<16xf32>
        %sub3A_245 = arith.constant 1.500000e+00 : f32
        %sub3A_246 = vector.broadcast %sub3A_245 : f32 to vector<16xf32>
        %sub3A_247 = arith.subf %sub3A_246, %mul3A_244 : vector<16xf32>
        %mul3A_248 = arith.mulf %bitcast_convert_type3A_239, %sub3A_247 : vector<16xf32>
        %mul3A_249 = arith.constant 5.000000e-01 : f32
        %mul3A_250 = vector.broadcast %mul3A_249 : f32 to vector<16xf32>
        %mul3A_251 = arith.mulf %mul3A_250, %max3A_234 : vector<16xf32>
        %mul3A_252 = arith.mulf %mul3A_251, %mul3A_248 : vector<16xf32>
        %mul3A_253 = arith.mulf %mul3A_252, %mul3A_248 : vector<16xf32>
        %sub3A_254 = arith.constant 1.500000e+00 : f32
        %sub3A_255 = vector.broadcast %sub3A_254 : f32 to vector<16xf32>
        %sub3A_256 = arith.subf %sub3A_255, %mul3A_253 : vector<16xf32>
        %mul3A_257 = arith.mulf %mul3A_248, %sub3A_256 : vector<16xf32>
        %mul3A_258 = arith.constant 5.000000e-01 : f32
        %mul3A_259 = vector.broadcast %mul3A_258 : f32 to vector<16xf32>
        %mul3A_260 = arith.mulf %mul3A_259, %max3A_234 : vector<16xf32>
        %mul3A_261 = arith.mulf %mul3A_260, %mul3A_257 : vector<16xf32>
        %mul3A_262 = arith.mulf %mul3A_261, %mul3A_257 : vector<16xf32>
        %sub3A_263 = arith.constant 1.500000e+00 : f32
        %sub3A_264 = vector.broadcast %sub3A_263 : f32 to vector<16xf32>
        %sub3A_265 = arith.subf %sub3A_264, %mul3A_262 : vector<16xf32>
        %mul3A_266 = arith.mulf %mul3A_257, %sub3A_265 : vector<16xf32>
        %mul3A_267 = arith.mulf %max3A_234, %mul3A_266 : vector<16xf32>
        %neg3A = arith.constant 0.000000e+00 : f32
        %neg3A_268 = vector.broadcast %neg3A : f32 to vector<16xf32>
        %neg3A_269 = arith.subf %neg3A_268, %mul3A_267 : vector<16xf32>
        %mul3A_270 = arith.constant 64 : i32
        %mul3A_271 = arith.muli %scan3A_171, %mul3A_270 : i32
        %mul3A_272 = arith.constant 16 : i32
        %mul3A_273 = arith.muli %scan3A_225, %mul3A_272 : i32
        %add3A_274 = arith.addi %mul3A_271, %mul3A_273 : i32
        %swap3A = arith.index_cast %add3A_274 : i32 to index
        %swap3A_275 = tpu.vector_load %arg12[%swap3A] {strides = array<i32>} : memref<512xf32, #tpu.memory_space<vmem>>, vector<16xf32>,
        %swap3A_276 = vector.shape_cast %swap3A_275 : vector<16xf32> to vector<16xf32>
        %swap3A_277 = vector.shape_cast %neg3A_269 : vector<16xf32> to vector<16xf32>
        tpu.vector_store %arg12[%swap3A], %swap3A_277 {strides = array<i32>} : memref<512xf32, #tpu.memory_space<vmem>>, vector<16xf32>,
      }
      %scan3A_224 = arith.constant 4 : i32
    }
    %scan3A_170 = arith.constant 8 : i32
    "tpu.region"() ({
      %run_scoped3A = tpu.sem_alloc : memref<!tpu.dma_semaphore, #tpu.memory_space<semaphore_mem>>
      %dma_start3A_171 = tpu.memref_slice %arg6[%mul3A_2] : memref<16384xf32, #tpu.memory_space<hbm>> -> memref<512xf32, #tpu.memory_space<hbm>>
      %dma_start3A_172 = tpu.memref_slice %arg6[%mul3A_2] : memref<16384xf32, #tpu.memory_space<hbm>> -> memref<512xf32, #tpu.memory_space<hbm>>
      tpu.enqueue_dma source(%arg12 : memref<512xf32, #tpu.memory_space<vmem>>) target(%dma_start3A_172 : memref<512xf32, #tpu.memory_space<hbm>>) target_semaphore(%run_scoped3A : memref<!tpu.dma_semaphore, #tpu.memory_space<semaphore_mem>>)
      %dma_wait3A_173 = tpu.memref_slice %arg6[%mul3A_2] : memref<16384xf32, #tpu.memory_space<hbm>> -> memref<512xf32, #tpu.memory_space<hbm>>
      %dma_wait3A_174 = tpu.memref_slice %arg6[%mul3A_2] : memref<16384xf32, #tpu.memory_space<hbm>> -> memref<512xf32, #tpu.memory_space<hbm>>
      tpu.wait_dma2 semaphore(%run_scoped3A : memref<!tpu.dma_semaphore, #tpu.memory_space<semaphore_mem>>) src(%arg12 : memref<512xf32, #tpu.memory_space<vmem>>) dst(%dma_wait3A_174 : memref<512xf32, #tpu.memory_space<hbm>>)
      tpu.yield
    }) : () -> ()
    return
  }
}

</mosaic_0001>

<sc_bundles>
// kernel: kernel.3.cloned.1.call-start
scs
__scs_entry_jumppad:
0x0: {  	(pc) =	sbr.rel $0x88, $3  }
0x1: {  	(tag) =	ssettag $0x0;
	lr =	simm.s32 $0x1  }
0x2: {  	[smem:$0x3F9D] =	sst lr;
	_ =	strace $0xD0000000  }
0x3: {  	_ = 	snop  }
0x4: {  	_ = 	snop  }
0x5: {  	_ = 	snop  }
0x6: {  	_ = 	snop  }
0x7: {  	_ = 	snop  }
__scs_overlays_trampoline_lowered:
0x8: {  	[smem:$0x3FAC] =	sst s0  }
0x9: {  	[smem:$0x3FAD] =	sst s1  }
0xa: {  	[smem:$0x3FAE] =	sst s2  }
0xb: {  	[smem:$0x3FAF] =	sst s3  }
0xc: {  	[smem:$0x3FB0] =	sst s4  }
0xd: {  	[smem:$0x3FB1] =	sst s5  }
0xe: {  	[smem:$0x3FB2] =	sst s6  }
0xf: {  	[smem:$0x3FB3] =	sst s7  }
0x10: {  	[smem:$0x3FB4] =	sst s8  }
0x11: {  	[smem:$0x3FB5] =	sst s9;
	s0 =	simm.s32 @!p0 $0x0  }
0x12: {  	s1 =	sld [smem:$0x3F9B];
	s0 =	simm.s32 @p0 $0x1  }
0x13: {  	[smem:$0x3FB6] =	sst s0;
	s0 =	simm.s32 @!p1 $0x0  }
0x14: {  	s2 =	sld [smem:$0x3F9A];
	s0 =	simm.s32 @p1 $0x1  }
0x15: {  	[smem:$0x3FB7] =	sst s0;
	s0 =	simm.s32 @!p2 $0x0  }
0x16: {  	s3 =	sld [smem:$0x3FDB];
	s0 =	simm.s32 @p2 $0x1  }
0x17: {  	s4 =	simm.s32 $0x1BF5;
	[smem:$0x3FB9] =	sst s0  }
0x18: {  	s0 =	sld [smem:$0x3F9C];
	_ =	swait.ge [sflag:s4], $0x0  }
0x19: {  	s7 =	sld [smem:$0x3F9D]  }
0x1a: {  	s8 =	sadd.s32 $0xFFFFE003, lr  }
0x1b: {  	s9 =	sadd.s32 $0xFFFFFEF7, lr;
	s5 =	simm.s32 $0xFFFFFFFF;
	p2 =	slt.u32 s8, $0xFFFFF086  }
0x1c: {  	p1 =	slt.u32 s9, $0xF7A;
	s5 =	simm.s32 @!p2 $0x0  }
0x1d: {  	s5 =	simm.s32 @p1 $0x1;
	p0 =	seq.s32 s7, s2  }
0x1e: {  	s7 =	smul.u32 @!p0 $0xF7A, s2;
	p2 =	seq.s32 @!p0 s5, $0x0  }
0x1f: {  	s9 =	smul.u32 $0xF7A, s1;
	s8 =	simm.s32 @!p0 $0x1BF5;
	p2 =	por !p2, p0  }
0x20: {  	[sflag:s8] =	ssyncset.s32 @!p0 $0xFFFFF086;
	s6 =	sadd.s32 @!p0 s3, s7;
	s7 =	simm.s32 @!p0 $0x108  }
0x21: {  	s3 =	sadd.s32 s3, s9;
	s6 =	sadd.s32 @!p0 $0x88, s6;
	s7 =	simm.s32 @p2 $0x1082  }
0x22: {  	[simem:s7], [sflag:s8] =	dma.local @!p0 [hbm:s6], $0xF7A  }
0x23: {  	s9 =	sor.u32 $0xD0000000, s2;
	s6 =	simm.s32 $0x108;
	_ =	swait.ge @!p0 [sflag:s8], $0x0  }
0x24: {  	s3 =	sadd.s32 $0x88, s3;
	s6 =	simm.s32 @!p1 $0x1082;
	[sflag:s4] =	ssyncset.s32 $0xFFFFF086  }
0x25: {  	[simem:s6], [sflag:s4] =	dma.local [hbm:s3], $0xF7A  }
0x26: {  	[smem:$0x3F9D] =	sst s1;
	(tag) =	ssettag s2;
	_ =	strace s9  }
0x27: {  	s1 =	sld [smem:$0x3FAD]  }
0x28: {  	s2 =	sld [smem:$0x3FAE]  }
0x29: {  	s4 =	sld [smem:$0x3FB0]  }
0x2a: {  	p0 =	seq.s32 s5, $0x0;
	s5 =	sld [smem:$0x3FB1]  }
0x2b: {  	s6 =	sld [smem:$0x3FB2]  }
0x2c: {  	s7 =	sld [smem:$0x3FB3]  }
0x2d: {  	s3 =	simm.s32 $0x108;
	s8 =	sld [smem:$0x3FB4]  }
0x2e: {  	s3 =	simm.s32 @!p0 $0x1082;
	s9 =	sld [smem:$0x3FB5]  }
0x2f: {  	lr =	sadd.s32 s0, s3;
	s0 =	sld [smem:$0x3FAC]  }
0x30: {  	s3 =	sld [smem:$0x3FAF]  }
0x31: {  	[smem:$0x3FB8] =	sst s10  }
0x32: {  	s10 =	sld [smem:$0x3FB6];
	_ =	sdelay $0x3  }
0x33: {  	p0 =	seq.s32 s10, $0x1;
	s10 =	sld [smem:$0x3FB8];
	_ =	sdelay $0x3  }
0x34: {  	[smem:$0x3FB8] =	sst s10  }
0x35: {  	s10 =	sld [smem:$0x3FB7];
	_ =	sdelay $0x3  }
0x36: {  	p1 =	seq.s32 s10, $0x1;
	s10 =	sld [smem:$0x3FB8];
	_ =	sdelay $0x3  }
0x37: {  	[smem:$0x3FB8] =	sst s10  }
0x38: {  	s10 =	sld [smem:$0x3FB9]  }
0x39: {  	_ = 	snop;
	(pc) =	sbr.ind lr, $3  }
0x3a: {  	_ = 	snop  }
0x3b: {  	_ = 	snop  }
0x3c: {  	p2 =	seq.s32 s10, $0x1;
	s10 =	sld [smem:$0x3FB8]  }
0x3d: {  	_ =	shalt  }
0x3e: {  	_ =	shalt  }
0x3f: {  	_ =	shalt  }
0x40: {  	_ =	shalt  }
0x41: {  	_ =	shalt  }
0x42: {  	_ =	shalt  }
0x43: {  	_ =	shalt  }
0x44: {  	_ =	shalt  }
0x45: {  	_ =	shalt  }
0x46: {  	_ =	shalt  }
0x47: {  	_ =	shalt  }
0x48: {  	_ =	shalt  }
0x49: {  	_ =	shalt  }
0x4a: {  	_ =	shalt  }
0x4b: {  	_ =	shalt  }
0x4c: {  	_ =	shalt  }
0x4d: {  	_ =	shalt  }
0x4e: {  	_ =	shalt  }
0x4f: {  	_ =	shalt  }
0x50: {  	_ =	shalt  }
0x51: {  	_ =	shalt  }
0x52: {  	_ =	shalt  }
0x53: {  	_ =	shalt  }
0x54: {  	_ =	shalt  }
0x55: {  	_ =	shalt  }
0x56: {  	_ =	shalt  }
0x57: {  	_ =	shalt  }
0x58: {  	_ =	shalt  }
0x59: {  	_ =	shalt  }
0x5a: {  	_ =	shalt  }
0x5b: {  	_ =	shalt  }
0x5c: {  	_ =	shalt  }
0x5d: {  	_ =	shalt  }
0x5e: {  	_ =	shalt  }
0x5f: {  	_ =	shalt  }
0x60: {  	_ =	shalt  }
0x61: {  	_ =	shalt  }
0x62: {  	_ =	shalt  }
0x63: {  	_ =	shalt  }
0x64: {  	_ =	shalt  }
0x65: {  	_ =	shalt  }
0x66: {  	_ =	shalt  }
0x67: {  	_ =	shalt  }
0x68: {  	_ =	shalt  }
0x69: {  	_ =	shalt  }
0x6a: {  	_ =	shalt  }
0x6b: {  	_ =	shalt  }
0x6c: {  	_ =	shalt  }
0x6d: {  	_ =	shalt  }
0x6e: {  	_ =	shalt  }
0x6f: {  	_ =	shalt  }
0x70: {  	_ =	shalt  }
0x71: {  	_ =	shalt  }
0x72: {  	_ =	shalt  }
0x73: {  	_ =	shalt  }
0x74: {  	_ =	shalt  }
0x75: {  	_ =	shalt  }
0x76: {  	_ =	shalt  }
0x77: {  	_ =	shalt  }
0x78: {  	_ =	shalt  }
0x79: {  	_ =	shalt  }
0x7a: {  	_ =	shalt  }
0x7b: {  	_ =	shalt  }
0x7c: {  	_ =	shalt  }
0x7d: {  	_ =	shalt  }
0x7e: {  	_ =	shalt  }
0x7f: {  	_ =	shalt  }
0x80: {  	_ =	shalt  }
0x81: {  	_ =	shalt  }
0x82: {  	_ =	shalt  }
0x83: {  	_ =	shalt  }
0x84: {  	_ =	shalt  }
0x85: {  	_ =	shalt  }
0x86: {  	_ =	shalt  }
0x87: {  	_ =	shalt  }
.Lfunc_end0:
.L_simem_size_0:
called_computation_lowered:
.L_overlay_start_0:
0x88: {  	s2 =	sld [smem:$0x3FD9]  }
0x89: {  	s3 =	sld [smem:$0x3FFE];
	_ =	sdelay $0x1  }
0x8a: {  	s1 =	srdreg.scid  }
0x8b: {  	s0 =	sand.u32 $0x1, s1  }
0x8c: {  	s18 =	sshll.u32 s0, $0xA;
	s2 =	sadd.s32 s3, s2  }
0x8d: {  	s2 =	sadd.s32 s2, s18  }
0x8e: {  	[smem:$0x3FC4] =	sst s2  }
0x8f: {  	_ = 	snop  }
0x90: {  	s2 =	sld [smem:$0x3FC9]  }
0x91: {  	s19 =	sld [smem:$0x3FC8]  }
0x92: {  	s4 =	sld [smem:$0x3FC7]  }
0x93: {  	s5 =	sld [smem:$0x3FC6]  }
0x94: {  	s6 =	sld [smem:$0x3FD0];
	(tm) =	ssettm $0x1  }
0x95: {  	s7 =	sld [smem:$0x3FFB];
	_ =	sdelay $0x3  }
0x96: {  	_ =	strace s7  }
0x97: {  	s7 =	sld [smem:$0x3FFC];
	_ =	sdelay $0x3  }
0x98: {  	_ =	strace s7  }
0x99: {  	s7 =	sld [smem:$0x3FFD];
	_ =	sdelay $0x3  }
0x9a: {  	_ =	strace s7  }
0x9b: {  	_ =	strace $0x8FFFFFFF  }
0x9c: {  	s20 =	sld [smem:$0x3FDB];
	_ =	sdelay $0x1  }
0x9d: {  	s8 =	simm.s32 $_scs_section_size  }
0x9e: {  	s9 =	simm.s32 $_size__tile_overlayer_lowered;
	s10 =	simm.s32 $_tile_overlayer_lowered  }
0x9f: {  	s23 =	simm.s32 $0x1BFF;
	s22 =	sshll.u32 s10, $0x1;
	s7 =	sadd.s32 s8, s20  }
0xa0: {  	s11 =	simm.s32 $0x0;
	s21 =	sshll.u32 s9, $0x1;
	s9 =	sadd.s32 s22, s7  }
0xa1: {  	[timem:s11], [sflag:s23] =	dma.local [hbm:s9], s21  }
0xa2: {  	_ =	swait.ge [sflag:s23], s21  }
0xa3: {  	s8 =	ssub.s32 $0x0, s21;
	[sflag:s23] =	ssyncset.done $0x0  }
0xa4: {  	[sflag:s23] =	ssyncadd.s32 s8;
	_ =	sdelay $0x1  }
0xa5: {  	s24 =	simm.s32 $0x1B8B  }
0xa6: {  	_ =	swait.ge [sflag:s24], $0x1  }
0xa7: {  	[sflag:s24] =	ssyncset.done $0x0  }
0xa8: {  	s25 =	simm.s32 $0x1B8E;
	[sflag:s24] =	ssyncadd.s32 $0xFFFFFFFF  }
0xa9: {  	s26 =	simm.s32 $execute0_lowered;
	[smem:$0x3FD2] =	sst s25  }
0xaa: {  	s8 =	sshll.u32 s26, $0x1;
	_ =	strace $0x80000046;
	[dreg:$0x1] =	wrdreg $0xFFFFFFFF  }
0xab: {  	s28 =	simm.s32 $_size_execute0_lowered;
	s7 =	sadd.s32 s7, s8;
	[dreg:$0x0] =	wrdreg $0x0  }
0xac: {  	s8 =	sshll.u32 s28, $0x1;
	[dreg:$0x2] =	wrdreg s7  }
0xad: {  	[dreg:$0x3] =	wrdreg s8  }
0xae: {  	[dreg:$0x4] =	wrdreg $0xC0  }
0xaf: {  	_ =	task [dreg:s11], $0x5FFFF  }
0xb0: {  	[dreg:$0x1] =	wrdreg $0xFFFFFFFF  }
0xb1: {  	[dreg:$0x0] =	wrdreg $0x60  }
0xb2: {  	[dreg:$0x2] =	wrdreg s2  }
0xb3: {  	[dreg:$0x3] =	wrdreg s19  }
0xb4: {  	[dreg:$0x4] =	wrdreg s4  }
0xb5: {  	[dreg:$0x5] =	wrdreg s5  }
0xb6: {  	[dreg:$0x6] =	wrdreg s6  }
0xb7: {  	[dreg:$0x7] =	wrdreg $0x9  }
0xb8: {  	_ =	task.clear_ibuf [dreg:s11], $0x8FFFF;
	_ =	strace $0x90000046  }
0xb9: {  	s29 =	simm.s32 $0x9;
	_ =	strace $0x80000048  }
0xba: {  	_ =	swait.ge [sflag:s29], $0x1  }
0xbb: {  	[sflag:s29] =	ssyncadd.s32 $0xFFFFFFFF  }
0xbc: {  	_ =	strace $0x90000048  }
0xbd: {  	_ =	sfence  }
0xbe: {  	s30 =	sld [smem:$0x0];
	_ =	sdelay $0x2  }
0xbf: {  	s31 =	sshll.u32 s1, $0xD;
	s1 =	sshrl.u32 s1, $0x2  }
0xc0: {  	s3 =	sand.u32 $0x4000, s31;
	s1 =	sadd.s32 s1, s30  }
0xc1: {  	s0 =	sor.u32 s3, s0;
	s1 =	sshll.u32 s1, $0x11  }
0xc2: {  	s0 =	sor.u32 s1, s0  }
0xc3: {  	s0 =	sadd.s32 $0x8F2B, s0  }
0xc4: {  	[sflag:s0] =	ssyncadd.remote.s32 $0x1  }
0xc5: {  	_ =	sfence.sel $0xFFFF  }
0xc6: {  	[dreg:$0x0] =	wrdreg $0xFFFFFFFF;
	(pc) =	sbr.abs _section_cstart, $3  }
0xc7: {  	[dreg:$0x1] =	wrdreg $0xFFFFFFFF  }
0xc8: {  	_ =	task.clear_ibuf [dreg:s11], $0x2FFFF;
	_ =	strace $0x9FFFFFFF  }
0xc9: {  	(tm) =	ssettm $0x7FFFFFFF  }
tec
execute0_lowered:
.L_overlay_start_1:
0x0: {  	(tag) =	ssettag $0x1  }
0x1: {  	s1 =	rddreg [dreg:$0x0]  }
0x2: {  	s0 =	rddreg [dreg:$0x1]  }
0x3: {  	s2 =	rddreg [dreg:$0x2]  }
0x4: {  	s3 =	rddreg [dreg:$0x3];
	v0 =	vimm.s32 $0xFEDCBA98;
	v1 =	vimm.s32 $0x76543210  }
0x5: {  	s11 =	rddreg [dreg:$0x4];
	v2 =	vimm.s32 $0x3210FEDC;
	v3 =	vimm.s32 $0xBA987654;
	v4 =	vimm.s32 $0x10FEDCBA  }
0x6: {  	s4 =	srdreg.scid;
	s5 =	stileid.u32;
	v5 =	vimm.s32 $0x98765432;
	v6 =	vimm.s32 $0xFEDCBA9;
	v7 =	vimm.s32 $0x87654321  }
0x7: {  	s14 =	simm.s32 $0x1;
	s15 =	simm.s32 $0x2;
	s16 =	simm.s32 $0x40;
	v0 =	vunpack.c.l.s4.s8 v0;
	v1 =	vunpack.c.l.s4.s8 v1;
	v2 =	vunpack.c.l.s4.s8 v2  }
0x8: {  	s29 =	simm.s32 $0x14400;
	s30 =	simm.s32 $0x18400;
	s31 =	simm.s32 $0xD;
	v3 =	vunpack.c.l.s4.s8 v3;
	v4 =	vunpack.c.l.s4.s8 v4;
	v5 =	vunpack.c.l.s4.s8 v5  }
0x9: {  	s6 =	sand.u32 $0x1, s4;
	s4 =	simm.s32 $0x0;
	s5 =	sshll.u32 s5, $0xA;
	v6 =	vunpack.c.l.s4.s8 v6;
	v7 =	vunpack.c.l.s4.s8 v7;
	v0 =	vunpack.c.0.s8.s32 v0  }
0xa: {  	s7 =	sshll.u32 s6, $0x9;
	[smem:$0x7FF] =	sst s4;
	s9 =	ssub.s32 $0x2, s6;
	v2 =	vunpack.c.0.s8.s32 v2;
	v3 =	vunpack.c.0.s8.s32 v3;
	v4 =	vunpack.c.0.s8.s32 v4  }
0xb: {  	s5 =	sor.u32 s7, s5;
	_ =	strace $0x80000047;
	s10 =	sshrl.u32 s9, $0x1;
	v5 =	vunpack.c.0.s8.s32 v5;
	v6 =	vunpack.c.0.s8.s32 v6;
	v7 =	vunpack.c.0.s8.s32 v7  }
0xc: {  	v1 =	vunpack.c.0.s8.s32 v1;
	s28 =	sshll.u32 s5, $0x4;
	s12 =	sshrl.u32 s5, $0x3;
	s13 =	ssub.s32 s9, s10;
	v2 =	vcombine.low v3, v2  }
0xd: {  	s6 =	sadd.s32 s1, s28;
	s9 =	sadd.s32 s0, s12;
	s10 =	sadd.s32 s2, s12;
	v3 =	vcombine.low v5, v4;
	v4 =	vcombine.low v7, v6;
	v0 =	vand.u32 $0xF, v0  }
0xe: {  	s11 =	sadd.s32 s11, s12;
	s12 =	smax.u32 s13, $0x1;
	s13 =	simm.s32 $0x200;
	v0 =	vcombine.low v0, v1;
	v1 =	vand.u32 $0xF, v2  }
0xf: {  	s0 =	simm.s32 $0x0;
	s7 =	sadd.s32 $0x400, s6;
	s8 =	sadd.s32 $0x800, s6;
	v2 =	vand.u32 $0xF, v3;
	v3 =	vand.u32 $0xF, v4;
	v4 =	vlaneseq.u32  }
.LBB2_1:
0x10: {  	[tilespmem:s4], [sflag:$0x1] =	stream.linear.gather [hbm4b:s9+s4], $0x200, $0x38;
	[tilespmem:$0x18600] =	vst v63  }
0x11: {  	_ = 	snop  }
0x12: {  	[tilespmem:s13], [sflag:$0x2] =	stream.linear.gather [hbm4b:s10+s4], $0x200, $0x38;
	[tilespmem:$0x18600] =	vst v63  }
0x13: {  	_ =	swait.ge [sflag:s14], $0x200  }
0x14: {  	[sflag:s14] =	ssyncset.done $0x0  }
0x15: {  	[sflag:s14] =	ssyncadd.s32 $0xFFFFFE00  }
0x16: {  	_ =	swait.ge [sflag:s15], $0x200  }
0x17: {  	[sflag:s15] =	ssyncset.done $0x0  }
0x18: {  	s2 =	simm.s32 $0x400;
	[sflag:s15] =	ssyncadd.s32 $0xFFFFFE00  }
0x19: {  	[tilespmem:s2], [sflag:$0x1] =	stream.indirect.gather [hbm4b:s3+s16], $0x80, s4, s16, $0xb8;
	[tilespmem:$0x18600] =	vst v63  }
0x1a: {  	s19 =	simm.s32 $0x8400  }
0x1b: {  	[tilespmem:s19], [sflag:$0x2] =	stream.indirect.gather [hbm4b:s3+s16], $0x80, s13, s16, $0xb8;
	[tilespmem:$0x18600] =	vst v63  }
0x1c: {  	s20 =	simm.s32 $0x10400  }
0x1d: {  	[tilespmem:s20], [sflag:$0x3] =	stream.linear.gather [hbm4b:s6+s4], $0x2000, $0x38;
	[tilespmem:$0x18600] =	vst v63  }
0x1e: {  	s21 =	simm.s32 $0x2400  }
0x1f: {  	[tilespmem:s21], [sflag:$0x4] =	stream.indirect.gather [hbm4b:s3+s16], $0x80, s16, s16, $0xb8;
	[tilespmem:$0x18600] =	vst v63  }
0x20: {  	s22 =	simm.s32 $0x240;
	s17 =	simm.s32 $0xA400  }
0x21: {  	[tilespmem:s17], [sflag:$0x5] =	stream.indirect.gather [hbm4b:s3+s16], $0x80, s22, s16, $0xb8;
	[tilespmem:$0x18600] =	vst v63  }
0x22: {  	s23 =	simm.s32 $0x12400  }
0x23: {  	[tilespmem:s23], [sflag:$0x6] =	stream.linear.gather [hbm4b:s7+s4], $0x2000, $0x38;
	[tilespmem:$0x18600] =	vst v63  }
0x24: {  	s24 =	simm.s32 $0x80;
	s25 =	simm.s32 $0x4400  }
0x25: {  	[tilespmem:s25], [sflag:$0x7] =	stream.indirect.gather [hbm4b:s3+s16], $0x80, s24, s16, $0xb8;
	[tilespmem:$0x18600] =	vst v63  }
0x26: {  	s26 =	simm.s32 $0x280;
	s28 =	simm.s32 $0xC400  }
0x27: {  	[tilespmem:s28], [sflag:$0x8] =	stream.indirect.gather [hbm4b:s3+s16], $0x80, s26, s16, $0xb8;
	[tilespmem:$0x18600] =	vst v63  }
0x28: {  	s2 =	simm.s32 $0x0;
	s17 =	simm.s32 $0x0  }
0x29: {  	[tilespmem:s29], [sflag:$0x9] =	stream.linear.gather [hbm4b:s8+s4], $0x2000, $0x38;
	[tilespmem:$0x18600] =	vst v63  }
.LBB2_2:
0x2a: {  	s18 =	sand.u32 $0x3, s17  }
0x2b: {  	s18 =	smul.u32 $0xC, s18;
	_ =	sdelay $0x1  }
0x2c: {  	s18 =	sshrl.u32 s18, $0x2  }
0x2d: {  	s19 =	sadd.s32 $0x1, s18  }
0x2e: {  	_ =	swait.ge [sflag:s19], $0x2000  }
0x2f: {  	[sflag:s19] =	ssyncset.done $0x0  }
0x30: {  	s25 =	sadd.s32 $0x2, s18;
	[sflag:s19] =	ssyncadd.s32 $0xFFFFE000  }
0x31: {  	_ =	swait.ge [sflag:s25], $0x2000  }
0x32: {  	p0 =	sgt.u32 s17, $0x4;
	[sflag:s25] =	ssyncset.done $0x0  }
0x33: {  	s18 =	sadd.s32 $0x3, s18;
	s19 =	sadd.s32 @!p0 $0x3, s17;
	[sflag:s25] =	ssyncadd.s32 $0xFFFFE000  }
0x34: {  	s20 =	sand.u32 @!p0 $0x3, s19;
	_ =	swait.ge [sflag:s18], $0x2000  }
0x35: {  	s21 =	smul.u32 @!p0 $0xC, s20;
	[sflag:s18] =	ssyncset.done $0x0  }
0x36: {  	s28 =	sshll.u32 s17, $0x6;
	[sflag:s18] =	ssyncadd.s32 $0xFFFFE000  }
0x37: {  	s18 =	sshll.u32 @!p0 s19, $0x6;
	s19 =	sshll.u32 @!p0 s20, $0xD;
	s20 =	sshrl.u32 @!p0 s21, $0x2  }
0x38: {  	s23 =	simm.s32 @!p0 $0x40;
	s21 =	sor.u32 @!p0 $0x400, s19;
	s22 =	sadd.s32 @!p0 $0x1, s20  }
0x39: {  	[tilespmem:s21], [sflag:s22] =	stream.indirect.gather @!p0 [hbm4b:s3+s23], $0x80, s18, s23, $0xb8;
	[tilespmem:$0x18600] =	vst v63  }
0x3a: {  	s24 =	sadd.s32 @!p0 $0x2, s20;
	s22 =	sadd.s32 @!p0 $0x200, s18;
	s18 =	sadd.s32 @!p0 s5, s18  }
0x3b: {  	s20 =	sadd.s32 @!p0 $0x3, s20;
	s21 =	sor.u32 @!p0 $0x8400, s19;
	s18 =	sshll.u32 @!p0 s18, $0x4  }
0x3c: {  	[tilespmem:s21], [sflag:s24] =	stream.indirect.gather @!p0 [hbm4b:s3+s23], $0x80, s22, s23, $0xb8;
	[tilespmem:$0x18600] =	vst v63  }
0x3d: {  	s19 =	sor.u32 @!p0 $0x10400, s19;
	s18 =	sadd.s32 @!p0 s1, s18;
	s21 =	simm.s32 @!p0 $0x0  }
0x3e: {  	[tilespmem:s19], [sflag:s20] =	stream.linear.gather @!p0 [hbm4b:s18+s21], $0x2000, $0x38;
	[tilespmem:$0x18600] =	vst v63  }
0x3f: {  	s26 =	sshll.u32 s2, $0xD;
	s19 =	sand.u32 $0x3FFFFFC0, s28  }
0x40: {  	s18 =	sand.u32 $0x6000, s26;
	s21 =	simm.s32 $0x0;
	s19 =	sadd.s32 $0x18400, s19  }
0x41: {  	s26 =	sor.u32 $0x480, s18;
	s24 =	sor.u32 $0x10480, s18;
	s23 =	sor.u32 $0x8480, s18;
	v5 =	vmov s19  }
.LBB2_3:
0x42: {  	v6 =	vld [tilespmem:s26+$0x70]  }
0x43: {  	v7 =	vld [tilespmem:s24+$0x70]  }
0x44: {  	v8 =	vld [tilespmem:s26+$0xFFFFFFF0]  }
0x45: {  	v9 =	vld [tilespmem:s24+$0xFFFFFFF0]  }
0x46: {  	v36 =	vld [tilespmem:s26+$0x60]  }
0x47: {  	v37 =	vld [tilespmem:s24+$0x60]  }
0x48: {  	v10 =	vld [tilespmem:s26+$0xFFFFFFE0]  }
0x49: {  	v38 =	vld [tilespmem:s24+$0xFFFFFFE0]  }
0x4a: {  	v11 =	vld [tilespmem:s26+$0x50]  }
0x4b: {  	v13 =	vld [tilespmem:s24+$0x50]  }
0x4c: {  	v15 =	vld [tilespmem:s26+$0xFFFFFFD0]  }
0x4d: {  	v17 =	vld [tilespmem:s24+$0xFFFFFFD0]  }
0x4e: {  	v14 =	vld [tilespmem:s26+$0x40]  }
0x4f: {  	v16 =	vld [tilespmem:s24+$0x40]  }
0x50: {  	v19 =	vld [tilespmem:s26+$0xFFFFFFC0]  }
0x51: {  	v21 =	vld [tilespmem:s24+$0xFFFFFFC0]  }
0x52: {  	v18 =	vld [tilespmem:s26+$0x30]  }
0x53: {  	v20 =	vld [tilespmem:s24+$0x30]  }
0x54: {  	v23 =	vld [tilespmem:s26+$0xFFFFFFB0]  }
0x55: {  	v25 =	vld [tilespmem:s24+$0xFFFFFFB0]  }
0x56: {  	v12 =	vld [tilespmem:s23+$0x0]  }
0x57: {  	v24 =	vld [tilespmem:s26+$0x20]  }
0x58: {  	v26 =	vld [tilespmem:s24+$0x20]  }
0x59: {  	v22 =	vld [tilespmem:s23+$0xFFFFFF80]  }
0x5a: {  	v28 =	vld [tilespmem:s26+$0xFFFFFFA0]  }
0x5b: {  	v31 =	vld [tilespmem:s24+$0xFFFFFFA0]  }
0x5c: {  	v27 =	vld [tilespmem:s26+$0x0]  }
0x5d: {  	v29 =	vld [tilespmem:s24+$0x0]  }
0x5e: {  	v30 =	vld [tilespmem:s26+$0x10]  }
0x5f: {  	v32 =	vld [tilespmem:s26+$0xFFFFFF80]  }
0x60: {  	v33 =	vld [tilespmem:s24+$0xFFFFFF80]  }
0x61: {  	v34 =	vld [tilespmem:s26+$0xFFFFFF90];
	s25 =	simm.s32 $0x2;
	s19 =	smov.u32 s24;
	v8 =	vadd.f32 v9, v8;
	v7 =	vadd.f32 v7, v6  }
0x62: {  	v35 =	vld [tilespmem:s24+$0xFFFFFF90];
	s20 =	smov.u32 s23;
	s18 =	smov.u32 s26;
	s22 =	simm.s32 $0x0;
	v6 =	vimm.f32 $0.0e+00;
	v10 =	vadd.f32 v38, v10;
	v9 =	vadd.f32 v37, v36  }
.LBB2_4:
0x63: {  	p0 =	slt.u32 s25, $0xE;
	v15 =	vadd.f32 v17, v15;
	v17 =	vld [tilespmem:s19+$0x10];
	v11 =	vadd.f32 v13, v11  }
0x64: {  	v19 =	vadd.f32 v21, v19;
	v14 =	vadd.f32 v16, v14;
	v13 =	vld [tilespmem:s20+$0xFFFFFF90]  }
0x65: {  	v16 =	vadd.f32 v25, v23;
	v18 =	vadd.f32 v20, v18;
	v21 =	vld [tilespmem:s20+$0x10]  }
0x66: {  	v23 =	vadd.f32 v31, v28;
	v24 =	vadd.f32 v26, v24;
	v20 =	vld [tilespmem:s20+$0xFFFFFFA0]  }
0x67: {  	v25 =	vadd.f32 v33, v32;
	v26 =	vadd.f32 v35, v34;
	v28 =	vld [tilespmem:s20+$0x20]  }
0x68: {  	v27 =	vadd.f32 v29, v27;
	v31 =	vld [tilespmem:s20+$0xFFFFFFB0];
	v17 =	vadd.f32 v17, v30  }
0x69: {  	v22 =	vsub.f32 v25, v22;
	v13 =	vsub.f32 v26, v13;
	v25 =	vld [tilespmem:s20+$0x30]  }
0x6a: {  	v12 =	vsub.f32 v27, v12;
	v26 =	vld [tilespmem:s20+$0xFFFFFFC0];
	v17 =	vsub.f32 v17, v21  }
0x6b: {  	v21 =	vmul.f32 v22, v22;
	v13 =	vmul.f32 v13, v13;
	v20 =	vsub.f32 v23, v20;
	v22 =	vld [tilespmem:s20+$0x40]  }
0x6c: {  	v12 =	vmul.f32 v12, v12;
	v23 =	vld [tilespmem:s20+$0xFFFFFFD0];
	v17 =	vmul.f32 v17, v17;
	v24 =	vsub.f32 v24, v28  }
0x6d: {  	v13 =	vadd.f32 v13, v21;
	v20 =	vmul.f32 v20, v20;
	v16 =	vsub.f32 v16, v31;
	v21 =	vld [tilespmem:s20+$0x50]  }
0x6e: {  	v27 =	vld [tilespmem:s20+$0xFFFFFFE0];
	v12 =	vadd.f32 v17, v12;
	v17 =	vmul.f32 v24, v24;
	v18 =	vsub.f32 v18, v25  }
0x6f: {  	v13 =	vadd.f32 v20, v13;
	v16 =	vmul.f32 v16, v16;
	v19 =	vsub.f32 v19, v26;
	v20 =	vld [tilespmem:s20+$0x60]  }
0x70: {  	v24 =	vld [tilespmem:s20+$0xFFFFFFF0];
	v12 =	vadd.f32 v17, v12;
	v17 =	vmul.f32 v18, v18;
	v14 =	vsub.f32 v14, v22  }
0x71: {  	s18 =	sadd.s32 $0x100, s18;
	v13 =	vadd.f32 v16, v13;
	v16 =	vmul.f32 v19, v19;
	v15 =	vsub.f32 v15, v23;
	v18 =	vld [tilespmem:s20+$0x70]  }
0x72: {  	s19 =	sadd.s32 $0x100, s19;
	v35 =	vld [tilespmem:s18+$0x70];
	v12 =	vadd.f32 v17, v12;
	v14 =	vmul.f32 v14, v14;
	v11 =	vsub.f32 v11, v21  }
0x73: {  	v36 =	vld [tilespmem:s19+$0x70];
	v13 =	vadd.f32 v16, v13;
	v15 =	vmul.f32 v15, v15;
	v10 =	vsub.f32 v10, v27  }
0x74: {  	v37 =	vld [tilespmem:s18+$0xFFFFFFF0];
	v12 =	vadd.f32 v14, v12;
	v11 =	vmul.f32 v11, v11;
	v9 =	vsub.f32 v9, v20  }
0x75: {  	v38 =	vld [tilespmem:s19+$0xFFFFFFF0];
	v13 =	vadd.f32 v15, v13;
	v10 =	vmul.f32 v10, v10;
	v8 =	vsub.f32 v8, v24  }
0x76: {  	v39 =	vld [tilespmem:s18+$0x60];
	v11 =	vadd.f32 v11, v12;
	v9 =	vmul.f32 v9, v9;
	v7 =	vsub.f32 v7, v18  }
0x77: {  	v40 =	vld [tilespmem:s19+$0x60];
	v10 =	vadd.f32 v10, v13;
	v8 =	vmul.f32 v8, v8  }
0x78: {  	v41 =	vld [tilespmem:s18+$0xFFFFFFE0];
	v9 =	vadd.f32 v9, v11;
	v7 =	vmul.f32 v7, v7  }
0x79: {  	v42 =	vld [tilespmem:s19+$0xFFFFFFE0];
	v8 =	vadd.f32 v8, v10  }
0x7a: {  	v11 =	vld [tilespmem:s18+$0x50];
	v7 =	vadd.f32 v7, v9  }
0x7b: {  	v13 =	vld [tilespmem:s19+$0x50];
	v9 =	vperm.xlane v8, v0  }
0x7c: {  	v15 =	vld [tilespmem:s18+$0xFFFFFFD0];
	v10 =	vperm.xlane v7, v0  }
0x7d: {  	v17 =	vld [tilespmem:s19+$0xFFFFFFD0];
	v8 =	vadd.f32 v8, v9  }
0x7e: {  	v14 =	vld [tilespmem:s18+$0x40];
	v7 =	vadd.f32 v7, v10  }
0x7f: {  	v16 =	vld [tilespmem:s19+$0x40];
	v9 =	vperm.xlane v8, v1  }
0x80: {  	v19 =	vld [tilespmem:s18+$0xFFFFFFC0];
	v10 =	vperm.xlane v7, v1  }
0x81: {  	v21 =	vld [tilespmem:s19+$0xFFFFFFC0];
	v8 =	vadd.f32 v8, v9  }
0x82: {  	v18 =	vld [tilespmem:s18+$0x30];
	v7 =	vadd.f32 v7, v10  }
0x83: {  	v20 =	vld [tilespmem:s19+$0x30];
	v9 =	vperm.xlane v8, v2  }
0x84: {  	v23 =	vld [tilespmem:s18+$0xFFFFFFB0];
	v10 =	vperm.xlane v7, v2  }
0x85: {  	s20 =	sadd.s32 $0x100, s20;
	v25 =	vld [tilespmem:s19+$0xFFFFFFB0];
	v8 =	vadd.f32 v8, v9  }
0x86: {  	v12 =	vld [tilespmem:s20+$0x0];
	v7 =	vadd.f32 v7, v10  }
0x87: {  	v24 =	vld [tilespmem:s18+$0x20];
	v9 =	vperm.xlane v8, v3  }
0x88: {  	v26 =	vld [tilespmem:s19+$0x20];
	v10 =	vperm.xlane v7, v3  }
0x89: {  	s28 =	sadd.s32 $0x1, s22;
	v22 =	vld [tilespmem:s20+$0xFFFFFF80];
	v8 =	vadd.f32 v8, v9;
	v9 =	vmov s22;
	s22 =	smov.u32 s25  }
0x8a: {  	v28 =	vld [tilespmem:s18+$0xFFFFFFA0];
	vm0 =	veq.s32 v9, v4;
	v7 =	vadd.f32 v7, v10;
	v9 =	vmov s28  }
0x8b: {  	v31 =	vld [tilespmem:s19+$0xFFFFFFA0];
	v6 =	vsel vm0, v8, v6;
	vm0 =	veq.s32 v9, v4  }
0x8c: {  	v27 =	vld [tilespmem:s18+$0x0];
	v6 =	vsel vm0, v7, v6  }
0x8d: {  	v29 =	vld [tilespmem:s19+$0x0]  }
.Ltmp0:
0x8e: {  	v30 =	vld [tilespmem:s18+$0x10];
	(pc) =	sbr.rel @p0 .LBB2_4-.Ltmp0, $4  }
0x8f: {  	v32 =	vld [tilespmem:s18+$0xFFFFFF80]  }
0x90: {  	v33 =	vld [tilespmem:s19+$0xFFFFFF80]  }
0x91: {  	v8 =	vadd.f32 v38, v37;
	v7 =	vadd.f32 v36, v35;
	v34 =	vld [tilespmem:s18+$0xFFFFFF90]  }
0x92: {  	s25 =	sadd.s32 $0x2, s25;
	v10 =	vadd.f32 v42, v41;
	v9 =	vadd.f32 v40, v39;
	v35 =	vld [tilespmem:s19+$0xFFFFFF90]  }
0x93: {  	v15 =	vadd.f32 v17, v15;
	v63 =	vld [tilespmem:s19+$0x10];
	v11 =	vadd.f32 v13, v11  }
0x94: {  	v36 =	vld [tilespmem:s20+$0xFFFFFF90];
	v19 =	vadd.f32 v21, v19;
	v14 =	vadd.f32 v16, v14  }
0x95: {  	v37 =	vadd.f32 v25, v23;
	v38 =	vld [tilespmem:s20+$0x10];
	v18 =	vadd.f32 v20, v18  }
0x96: {  	v39 =	vld [tilespmem:s20+$0xFFFFFFA0];
	v40 =	vadd.f32 v31, v28;
	v24 =	vadd.f32 v26, v24  }
0x97: {  	v43 =	vld [tilespmem:s20+$0x20];
	v41 =	vadd.f32 v33, v32;
	v42 =	vadd.f32 v35, v34  }
0x98: {  	v44 =	vld [tilespmem:s20+$0xFFFFFFB0];
	v27 =	vadd.f32 v29, v27;
	v17 =	vadd.f32 v63, v30  }
0x99: {  	v45 =	vld [tilespmem:s20+$0x30];
	v22 =	vsub.f32 v41, v22;
	v13 =	vsub.f32 v42, v36  }
0x9a: {  	v46 =	vld [tilespmem:s20+$0xFFFFFFC0];
	v12 =	vsub.f32 v27, v12;
	v17 =	vsub.f32 v17, v38  }
0x9b: {  	v48 =	vld [tilespmem:s20+$0x40];
	v20 =	vsub.f32 v40, v39;
	v47 =	vmul.f32 v22, v22;
	v13 =	vmul.f32 v13, v13  }
0x9c: {  	v49 =	vld [tilespmem:s20+$0xFFFFFFD0];
	v12 =	vmul.f32 v12, v12;
	v24 =	vsub.f32 v24, v43;
	v17 =	vmul.f32 v17, v17  }
0x9d: {  	v50 =	vld [tilespmem:s20+$0x50];
	v16 =	vsub.f32 v37, v44;
	v20 =	vmul.f32 v20, v20;
	v13 =	vadd.f32 v13, v47  }
0x9e: {  	v51 =	vld [tilespmem:s20+$0xFFFFFFE0];
	v18 =	vsub.f32 v18, v45;
	v52 =	vmul.f32 v24, v24;
	v12 =	vadd.f32 v17, v12  }
0x9f: {  	v53 =	vld [tilespmem:s20+$0x60];
	v19 =	vsub.f32 v19, v46;
	v16 =	vmul.f32 v16, v16;
	v13 =	vadd.f32 v20, v13  }
0xa0: {  	v54 =	vld [tilespmem:s20+$0xFFFFFFF0];
	v14 =	vsub.f32 v14, v48;
	v55 =	vmul.f32 v18, v18;
	v12 =	vadd.f32 v52, v12  }
0xa1: {  	v57 =	vld [tilespmem:s20+$0x70];
	v15 =	vsub.f32 v15, v49;
	v56 =	vmul.f32 v19, v19;
	v13 =	vadd.f32 v16, v13  }
0xa2: {  	v11 =	vsub.f32 v11, v50;
	v14 =	vmul.f32 v14, v14;
	v12 =	vadd.f32 v55, v12  }
0xa3: {  	v10 =	vsub.f32 v10, v51;
	v15 =	vmul.f32 v15, v15;
	v13 =	vadd.f32 v56, v13  }
0xa4: {  	v9 =	vsub.f32 v9, v53;
	v11 =	vmul.f32 v11, v11;
	v12 =	vadd.f32 v14, v12  }
0xa5: {  	v8 =	vsub.f32 v8, v54;
	v10 =	vmul.f32 v10, v10;
	v13 =	vadd.f32 v15, v13  }
0xa6: {  	v7 =	vsub.f32 v7, v57;
	v9 =	vmul.f32 v9, v9;
	v11 =	vadd.f32 v11, v12  }
0xa7: {  	v8 =	vmul.f32 v8, v8;
	v10 =	vadd.f32 v10, v13  }
0xa8: {  	v7 =	vmul.f32 v7, v7;
	v9 =	vadd.f32 v9, v11  }
0xa9: {  	v8 =	vadd.f32 v8, v10  }
0xaa: {  	v7 =	vadd.f32 v7, v9  }
0xab: {  	v58 =	vperm.xlane v8, v0  }
0xac: {  	v59 =	vperm.xlane v7, v0  }
0xad: {  	v8 =	vadd.f32 v8, v58  }
0xae: {  	v7 =	vadd.f32 v7, v59  }
0xaf: {  	v9 =	vperm.xlane v8, v1  }
0xb0: {  	v10 =	vperm.xlane v7, v1  }
0xb1: {  	v8 =	vadd.f32 v8, v9  }
0xb2: {  	v7 =	vadd.f32 v7, v10  }
0xb3: {  	v9 =	vperm.xlane v8, v2  }
0xb4: {  	v10 =	vperm.xlane v7, v2  }
0xb5: {  	v8 =	vadd.f32 v8, v9  }
0xb6: {  	v7 =	vadd.f32 v7, v10  }
0xb7: {  	v9 =	vperm.xlane v8, v3  }
0xb8: {  	v10 =	vperm.xlane v7, v3  }
0xb9: {  	v60 =	vmov s22;
	s18 =	sadd.s32 $0x1, s22;
	v8 =	vadd.f32 v8, v9  }
0xba: {  	vm0 =	veq.s32 v60, v4;
	v61 =	vmov s18;
	v7 =	vadd.f32 v7, v10  }
0xbb: {  	vm15 =	veq.s32 v61, v4;
	v6 =	vsel vm0, v8, v6  }
0xbc: {  	v6 =	vsel vm15, v7, v6  }
0xbd: {  	v6 =	vmax.f32 v6, $1.000000020e-35  }
0xbe: {  	v7 =	vshrl.u32 v6, $0x1;
	v62 =	vmul.f32 $5.000000000e-01, v6  }
0xbf: {  	v7 =	vsub.s32 $0x5F3759DF, v7  }
0xc0: {  	v63 =	vmul.f32 v7, v62;
	_ =	sdelay $0x1  }
0xc1: {  	v9 =	vmul.f32 v7, v63;
	_ =	sdelay $0x1  }
0xc2: {  	v9 =	vsub.f32 $1.500000000e+00, v9;
	_ =	sdelay $0x1  }
0xc3: {  	v7 =	vmul.f32 v7, v9;
	_ =	sdelay $0x1  }
0xc4: {  	v9 =	vmul.f32 v7, v62;
	_ =	sdelay $0x1  }
0xc5: {  	v9 =	vmul.f32 v9, v7;
	_ =	sdelay $0x1  }
0xc6: {  	v9 =	vsub.f32 $1.500000000e+00, v9;
	_ =	sdelay $0x1  }
0xc7: {  	v7 =	vmul.f32 v9, v7;
	_ =	sdelay $0x1  }
0xc8: {  	v8 =	vmul.f32 v7, v62;
	_ =	sdelay $0x1  }
0xc9: {  	v8 =	vmul.f32 v8, v7;
	_ =	sdelay $0x1  }
0xca: {  	v8 =	vsub.f32 $1.500000000e+00, v8;
	_ =	sdelay $0x1  }
0xcb: {  	s28 =	sshll.u32 s21, $0x4;
	s21 =	sadd.s32 $0x1, s21;
	v7 =	vmul.f32 v8, v7  }
0xcc: {  	p0 =	sne.s32 s21, $0x4  }
.Ltmp1:
0xcd: {  	v6 =	vmul.f32 v7, v6;
	(pc) =	sbr.rel @p0 .LBB2_3-.Ltmp1, $4  }
0xce: {  	_ = 	snop  }
0xcf: {  	v6 =	vsub.f32 $0.0e+00, v6  }
0xd0: {  	s18 =	sand.u32 $0x3FFFFFF0, s28  }
0xd1: {  	s26 =	sadd.s32 $0x800, s26;
	s24 =	sadd.s32 $0x800, s24;
	s23 =	sadd.s32 $0x800, s23;
	[tilespmem:v5+s18+$0x0 ss:$0x1] =	vst.idx.msk $0xffff, v6  }
0xd2: {  	s17 =	sadd.s32 $0x1, s17  }
0xd3: {  	p0 =	sne.s32 s17, $0x8  }
.Ltmp2:
0xd4: {  	_ = 	snop;
	(pc) =	sbr.rel @p0 .LBB2_2-.Ltmp2, $2  }
0xd5: {  	_ =	sdelay $0x2  }
0xd6: {  	s2 =	sadd.s32 $0x1, s2  }
0xd7: {  	s0 =	sadd.s32 $0x1, s0  }
0xd8: {  	p0 =	sne.s32 s0, s12  }
.Ltmp3:
0xd9: {  	_ = 	snop;
	(pc) =	sbr.rel @p0 .LBB2_1-.Ltmp3, $4  }
0xda: {  	[hbm4b:s11+s4] =	stream.linear.scatter [tilespmem:s30], [sflag:$0xD], $0x200, $0x38;
	[tilespmem:$0x18600] =	vst v63  }
0xdb: {  	_ =	swait.ge [sflag:s31], $0x200  }
0xdc: {  	[sflag:s31] =	ssyncset.done $0x0  }
0xdd: {  	[sflag:s31] =	ssyncadd.s32 $0xFFFFFE00  }
0xde: {  	_ =	sfence.sel $0x180000  }
0xdf: {  	[bflag:$0x0] =	sbarrier.arrive $0xFFFF  }
0xe0: {  	_ =	strace $0x90000047  }
0xe1: {  	s0 =	stileid.u32;
	[bflag:$0x2] =	sbarrier.arrive $0xFFFF  }
0xe2: {  	p0 =	sne.s32 s0, $0x0;
	s0 =	rddreg [dreg:$0x5]  }
0xe3: {  	s0 =	sadd.s32 @!p0 $0x100000, s0  }
0xe4: {  	[sflag:s0] =	ssyncadd.tile.s32 @!p0 $0x1;
	_ =	shalt  }
.Lfunc_end2:
_tile_overlayer_lowered:
.L_overlay_start_2:
0xe5: {  	(tag) =	ssettag $0x2  }
0xe6: {  	s0 =	rddreg [dreg:$0x0];
	s2 =	stileid.u32  }
0xe7: {  	s1 =	rddreg [dreg:$0x1];
	p0 =	sne.s32 s2, $0x0  }
0xe8: {  	s3 =	rddreg [dreg:$0x2];
	[bflag:$0x3] =	sbarrier.arrive $0xFFFF;
	s2 =	simm.s32 @!p0 $0x1C0D  }
0xe9: {  	[timem:s3], [sflag:s2] =	dma.local @!p0 [hbm:s0], s1  }
0xea: {  	s0 =	simm.s32 @!p0 $0xD  }
0xeb: {  	_ =	swait.ge @!p0 [sflag:s0], s1  }
0xec: {  	s1 =	ssub.s32 @!p0 $0x0, s1;
	[sflag:s0] =	ssyncset.done @!p0 $0x0  }
0xed: {  	[sflag:s0] =	ssyncadd.s32 @!p0 s1  }
0xee: {  	[bflag:$0x3] =	sbarrier.arrive $0xFFFF  }
0xef: {  	_ =	shalt  }

</sc_bundles>
